<compile_context>
chip_gen: v7x
topology: tpu7x:2x2x1
jax: 0.10.2.dev20260603
libtpu: 0.0.44.dev20260713+nightly
codegen_flags: <defaults>
</compile_context>

<pallas_src>
import functools

import jax
import jax.numpy as jnp
from jax import lax
from jax.experimental import pallas as pl
from jax.experimental.pallas import tpu as pltpu
from jax.experimental.pallas import tpu_sc as plsc


N_NODES = 100000
N_EDGES = 3200000
NSC = 2
NSUB = 16
RNG = 6256
NPAD = RNG * NSUB
RNG2 = RNG * 4
EPC = N_EDGES // NSC
W = 2000
NW = EPC // W
VPW = W // 16


def _sc_agg_body(eiflat_hbm, aflat_hbm, z1_hbm, negf_hbm, ones_hbm,
                 sums_out, cnts_out, maxs_out,
                 col0, col1, fattr0, fattr1, onesbuf, zbuf, stg, acc,
                 sp0, sp1, sp2, sp3, spc,
                 sem_c0, sem_c1, sem_a0, sem_a1, sem_add):
    c = lax.axis_index("c")
    s = lax.axis_index("s")
    lo = s * RNG
    ebase = c * EPC
    splanes = (sp0, sp1, sp2, sp3)
    mlo = lax.rem(s, 4) * RNG2
    pbase = lax.div(s, 4)

    pltpu.sync_copy(z1_hbm, zbuf)
    for sp in (sp0, sp1, sp2, sp3, spc):
        for i in range(RNG // W):
            pltpu.sync_copy(zbuf, sp.at[pl.ds(lo + i * W, W)])
        rem = RNG % W
        pltpu.sync_copy(zbuf.at[pl.ds(0, rem)],
                        sp.at[pl.ds(lo + (RNG // W) * W, rem)])
    pltpu.sync_copy(negf_hbm, acc)
    pltpu.sync_copy(ones_hbm, onesbuf)
    plsc.subcore_barrier()

    iota16 = lax.iota(jnp.int32, 16)

    cbufs = (col0, col1)
    abufs = (fattr0, fattr1)
    csems = (sem_c0, sem_c1)
    asems = (sem_a0, sem_a1)

    def start(w, b):
        off = ebase + w * W
        pltpu.async_copy(eiflat_hbm.at[pl.ds(N_EDGES + off, W)], cbufs[b],
                         csems[b])
        for j in range(4):
            pltpu.async_copy(aflat_hbm.at[pl.ds(j * N_EDGES + off, W)],
                             abufs[b].at[pl.ds(j * W, W)], asems[b])

    def wait(w, b):
        off = ebase + w * W
        pltpu.make_async_copy(eiflat_hbm.at[pl.ds(N_EDGES + off, W)],
                              cbufs[b], csems[b]).wait()
        for j in range(4):
            pltpu.make_async_copy(aflat_hbm.at[pl.ds(j * N_EDGES + off, W)],
                                  abufs[b].at[pl.ds(j * W, W)],
                                  asems[b]).wait()

    start(0, 0)
    start(1, 1)

    def window_body(i, _):
        for b in (0, 1):
            w = 2 * i + b
            colb = cbufs[b]
            attrb = abufs[b]
            wait(w, b)

            mine = lax.rem(w, NSUB) == s

            @pl.when(mine)
            def _():
                for j in range(4):
                    pltpu.async_copy(attrb.at[pl.ds(j * W, W)],
                                     splanes[j].at[colb], sem_add, add=True)
                pltpu.async_copy(onesbuf, spc.at[colb], sem_add, add=True)

            def vreg_body(k, _):
                colv = colb[pl.ds(k * 16, 16)]
                loc = colv - mlo
                m = (loc >= 0) & (loc < RNG2)
                locs = jnp.where(m, loc, 0)
                av = attrb[pl.ds(pbase * W + k * 16, 16)]
                trash = RNG2 + iota16

                def rmw(mm):
                    idxj = jnp.where(mm, locs, trash)
                    cur = plsc.load_gather(acc, [idxj])
                    new = jnp.maximum(cur, av)
                    plsc.store_scatter(acc, [idxj], new)
                    cur2 = plsc.load_gather(acc, [idxj])
                    return mm & (cur2 < av)

                bad = rmw(m)
                lax.while_loop(lambda mm: jnp.any(mm), rmw, bad)
                return 0

            lax.fori_loop(0, VPW, vreg_body, 0)

            @pl.when(mine)
            def _():
                for j in range(4):
                    pltpu.make_async_copy(attrb.at[pl.ds(j * W, W)],
                                          splanes[j].at[colb],
                                          sem_add).wait()
                pltpu.make_async_copy(onesbuf, spc.at[colb], sem_add).wait()

            @pl.when(w + 2 < NW)
            def _():
                start(w + 2, b)
        return 0

    lax.fori_loop(0, NW // 2, window_body, 0)
    plsc.subcore_barrier()

    for j in range(4):
        pltpu.sync_copy(splanes[j].at[pl.ds(lo, RNG)], stg)
        pltpu.sync_copy(stg, sums_out.at[pl.ds((c * 4 + j) * NPAD + lo, RNG)])
    pltpu.sync_copy(spc.at[pl.ds(lo, RNG)], stg)
    pltpu.sync_copy(stg, cnts_out.at[pl.ds(c * NPAD + lo, RNG)])
    pltpu.sync_copy(
        acc.at[pl.ds(0, RNG2)],
        maxs_out.at[pl.ds((c * 4 + pbase) * NPAD + mlo, RNG2)])


def _run_sc_agg(eiflat, aflat):
    mesh = plsc.VectorSubcoreMesh(core_axis_name="c", subcore_axis_name="s")
    z1 = jnp.zeros((W,), jnp.float32)
    negf = jnp.full((RNG2 + 16,), -jnp.inf, jnp.float32)
    ones = jnp.ones((W,), jnp.float32)
    kfn = pl.kernel(
        _sc_agg_body,
        out_type=(
            jax.ShapeDtypeStruct((NSC * 4 * NPAD,), jnp.float32),
            jax.ShapeDtypeStruct((NSC * NPAD,), jnp.float32),
            jax.ShapeDtypeStruct((NSC * 4 * NPAD,), jnp.float32),
        ),
        mesh=mesh,
        scratch_types=[
            pltpu.VMEM((W,), jnp.int32),
            pltpu.VMEM((W,), jnp.int32),
            pltpu.VMEM((4 * W,), jnp.float32),
            pltpu.VMEM((4 * W,), jnp.float32),
            pltpu.VMEM((W,), jnp.float32),
            pltpu.VMEM((W,), jnp.float32),
            pltpu.VMEM((RNG,), jnp.float32),
            pltpu.VMEM((RNG2 + 16,), jnp.float32),
            pltpu.VMEM_SHARED((NPAD,), jnp.float32),
            pltpu.VMEM_SHARED((NPAD,), jnp.float32),
            pltpu.VMEM_SHARED((NPAD,), jnp.float32),
            pltpu.VMEM_SHARED((NPAD,), jnp.float32),
            pltpu.VMEM_SHARED((NPAD,), jnp.float32),
            pltpu.SemaphoreType.DMA,
            pltpu.SemaphoreType.DMA,
            pltpu.SemaphoreType.DMA,
            pltpu.SemaphoreType.DMA,
            pltpu.SemaphoreType.DMA,
        ],
        compiler_params=pltpu.CompilerParams(needs_layout_passes=False,
                                             use_tc_tiling_on_sc=False),
    )
    return kfn(eiflat, aflat, z1, negf, ones)



def _mlp_body(x_ref, batch_ref, u_ref, w1x_ref, w1a_ref, w1u_ref, b1_ref,
              w2_ref, b2_ref, *rest):
    (s00, s01, s02, s03, s10, s11, s12, s13, c0, c1,
     m00, m01, m02, m03, m10, m11, m12, m13, out_ref) = rest
    s0p = (s00, s01, s02, s03)
    s1p = (s10, s11, s12, s13)
    m0p = (m00, m01, m02, m03)
    m1p = (m10, m11, m12, m13)

    cnt = (c0[0, 0, :] + c1[0, 0, :])[:, None]
    sj = [(s0p[j][0, 0, :] + s1p[j][0, 0, :])[:, None] for j in range(4)]
    mj = [jnp.maximum(m0p[j][0, 0, :], m1p[j][0, 0, :])[:, None]
          for j in range(4)]
    pos = cnt > 0
    inv = 1.0 / jnp.maximum(cnt, 1.0)
    agg = jnp.concatenate(
        sj + [jnp.where(pos, m, 0.0) for m in mj] + [s * inv for s in sj],
        axis=1)

    b = batch_ref[0, 0, :]
    oneh = (b[:, None] == lax.broadcasted_iota(jnp.int32, (1, 16), 1)
            ).astype(jnp.float32)
    uw = jnp.dot(u_ref[...], w1u_ref[...], preferred_element_type=jnp.float32)

    h = jnp.dot(x_ref[...], w1x_ref[...], preferred_element_type=jnp.float32)
    h += jnp.dot(agg, w1a_ref[...], preferred_element_type=jnp.float32)
    h += jnp.dot(oneh, uw, preferred_element_type=jnp.float32)
    h = jnp.maximum(h + b1_ref[...], 0.0)
    out_ref[...] = jnp.dot(h, w2_ref[...],
                           preferred_element_type=jnp.float32) + b2_ref[...]


def _run_mlp(x, sums_f, cnts_f, maxs_f, batch, u, W1, b1, W2, b2):
    n, node_in = x.shape
    blk = 1000
    grid = n // blk
    w1x = W1[0:node_in]
    w1a = W1[node_in:node_in + 12]
    w1u = W1[node_in + 12:]
    batch3 = batch.astype(jnp.int32).reshape(grid, 1, blk)

    def plane(f, off):
        return f[off:off + n].reshape(grid, 1, blk)

    splanes = [plane(sums_f, (c * 4 + j) * NPAD)
               for c in range(NSC) for j in range(4)]
    cplanes = [plane(cnts_f, c * NPAD) for c in range(NSC)]
    mplanes = [plane(maxs_f, (c * 4 + j) * NPAD)
               for c in range(NSC) for j in range(4)]

    full = lambda shape: pl.BlockSpec(shape, lambda i: (0,) * len(shape))
    p3 = pl.BlockSpec((1, 1, blk), lambda i: (i, 0, 0))
    return pl.pallas_call(
        _mlp_body,
        grid=(grid,),
        in_specs=[
            pl.BlockSpec((blk, node_in), lambda i: (i, 0)),
            p3,
            full(u.shape),
            full(w1x.shape),
            full(w1a.shape),
            full(w1u.shape),
            full((1, 128)),
            full(W2.shape),
            full((1, 128)),
        ] + [p3] * 18,
        out_specs=pl.BlockSpec((blk, 128), lambda i: (i, 0)),
        out_shape=jax.ShapeDtypeStruct((n, 128), jnp.float32),
        compiler_params=pltpu.CompilerParams(
            dimension_semantics=("arbitrary",),
        ),
    )(x, batch3, u, w1x, w1a, w1u, b1.reshape(1, 128), W2,
      b2.reshape(1, 128), *splanes, *cplanes, *mplanes)


def kernel(x, edge_index, edge_attr, u, batch, W1, b1, W2, b2):
    n = x.shape[0]
    eiflat = edge_index.astype(jnp.int32).reshape(-1)
    aflat = edge_attr.T.reshape(-1)
    eiflat, aflat = lax.optimization_barrier((eiflat, aflat))
    sums_f, cnts_f, maxs_f = _run_sc_agg(eiflat, aflat)
    return _run_mlp(x, sums_f, cnts_f, maxs_f, batch, u, W1, b1, W2, b2)

# --- scband reference (transcript-rebuilt; emitter-appended) ---
"""Pipeline reference for scband-node-model-17669495456024 (READ-ONLY COPY).

The authoritative reference and input builder live on the scoring server;
editing this copy changes nothing except your own understanding.
"""

import jax, jax.numpy as jnp
import numpy as np

N_NODES = 100000
N_EDGES = 3200000
NODE_IN = 128
EDGE_IN = 4
GLOBAL_IN = 16
HIDDEN = 128
NODE_OUT = 128
N_GRAPHS = 16
IN_DIM = NODE_IN + 3 * EDGE_IN + GLOBAL_IN


def setup_inputs(seed: int = 0) -> dict:
    key = jax.random.key(seed)
    ks = jax.random.split(key, 9)
    x = jax.random.normal(ks[0], (N_NODES, NODE_IN), dtype=jnp.float32)
    edge_index = jax.random.randint(ks[1], (2, N_EDGES), 0, N_NODES, dtype=jnp.int64)
    edge_attr = jax.random.normal(ks[2], (N_EDGES, EDGE_IN), dtype=jnp.float32)
    u = jax.random.normal(ks[3], (N_GRAPHS, GLOBAL_IN), dtype=jnp.float32)
    batch = jnp.sort(jax.random.randint(ks[4], (N_NODES,), 0, N_GRAPHS, dtype=jnp.int64))
    W1 = jax.random.normal(ks[5], (IN_DIM, HIDDEN), dtype=jnp.float32) * 0.02
    b1 = jnp.zeros((HIDDEN,), dtype=jnp.float32)
    W2 = jax.random.normal(ks[6], (HIDDEN, NODE_OUT), dtype=jnp.float32) * 0.02
    b2 = jnp.zeros((NODE_OUT,), dtype=jnp.float32)
    return {"x": x, "edge_index": edge_index, "edge_attr": edge_attr, "u": u,
            "batch": batch, "W1": W1, "b1": b1, "W2": W2, "b2": b2}


def reference(x, edge_index, edge_attr, u, batch, W1, b1, W2, b2):
    col = edge_index[1]
    n = x.shape[0]
    # scatter_add
    out1 = jax.ops.segment_sum(edge_attr, col, num_segments=n)
    # counts for mean / empty-segment handling
    cnt = jax.ops.segment_sum(jnp.ones((edge_attr.shape[0],), dtype=edge_attr.dtype), col, num_segments=n)
    # scatter_max (torch_scatter fills empty segments with 0)
    out2 = jax.ops.segment_max(edge_attr, col, num_segments=n)
    out2 = jnp.where(cnt[:, None] > 0, out2, 0.0)
    # scatter_mean (0 for empty segments)
    out3 = out1 / jnp.maximum(cnt, 1.0)[:, None]
    h = jnp.concatenate([x, out1, out2, out3, u[batch]], axis=1)
    h = jnp.maximum(h @ W1 + b1, 0.0)
    out = h @ W2 + b2
    return out

if __name__ == "__main__":
    import jax
    _d = setup_inputs()
    print(jax.jit(kernel)(*tuple(_d.values())))

</pallas_src>

<mosaic_0001>
#map = affine_map<(d0, d1) -> (0)>
module attributes {stable_mosaic.version = 14 : i64} {
  func.func @_sc_agg_body(%arg0: i32, %arg1: i32, %arg2: memref<6400000xi32, #tpu.memory_space<hbm>>, %arg3: memref<12800000xf32, #tpu.memory_space<hbm>>, %arg4: memref<2000xf32, #tpu.memory_space<hbm>>, %arg5: memref<25040xf32, #tpu.memory_space<hbm>>, %arg6: memref<2000xf32, #tpu.memory_space<hbm>>, %arg7: memref<800768xf32, #tpu.memory_space<hbm>>, %arg8: memref<200192xf32, #tpu.memory_space<hbm>>, %arg9: memref<800768xf32, #tpu.memory_space<hbm>>, %arg10: memref<2000xi32, #tpu.memory_space<vmem>>, %arg11: memref<2000xi32, #tpu.memory_space<vmem>>, %arg12: memref<8000xf32, #tpu.memory_space<vmem>>, %arg13: memref<8000xf32, #tpu.memory_space<vmem>>, %arg14: memref<2000xf32, #tpu.memory_space<vmem>>, %arg15: memref<2000xf32, #tpu.memory_space<vmem>>, %arg16: memref<6256xf32, #tpu.memory_space<vmem>>, %arg17: memref<25040xf32, #tpu.memory_space<vmem>>, %arg18: memref<100096xf32, #tpu.memory_space<vmem_shared>>, %arg19: memref<100096xf32, #tpu.memory_space<vmem_shared>>, %arg20: memref<100096xf32, #tpu.memory_space<vmem_shared>>, %arg21: memref<100096xf32, #tpu.memory_space<vmem_shared>>, %arg22: memref<100096xf32, #tpu.memory_space<vmem_shared>>, %arg23: memref<!tpu.dma_semaphore, #tpu.memory_space<semaphore_mem>>, %arg24: memref<!tpu.dma_semaphore, #tpu.memory_space<semaphore_mem>>, %arg25: memref<!tpu.dma_semaphore, #tpu.memory_space<semaphore_mem>>, %arg26: memref<!tpu.dma_semaphore, #tpu.memory_space<semaphore_mem>>, %arg27: memref<!tpu.dma_semaphore, #tpu.memory_space<semaphore_mem>>) attributes {dimension_semantics = [#tpu.dimension_semantics<core_parallel>, #tpu.dimension_semantics<subcore_parallel>], iteration_bounds = array<i64: 2, 16>, scalar_prefetch = 0 : i64, scratch_operands = 18 : i64, tpu.core_type = #tpu.core_type<sc_vector_subcore>, window_params = [{transform_indices = #map}, {transform_indices = #map}, {transform_indices = #map}, {transform_indices = #map}, {transform_indices = #map}, {transform_indices = #map}, {transform_indices = #map}, {transform_indices = #map}]} {
    %mul3A = arith.constant 6256 : i32
    %mul3A_0 = arith.muli %arg1, %mul3A : i32
    %mul3A_1 = arith.constant 1600000 : i32
    %mul3A_2 = arith.muli %arg0, %mul3A_1 : i32
    %rem3A = arith.constant 4 : i32
    %rem3A_3 = arith.remsi %arg1, %rem3A : i32
    %mul3A_4 = arith.constant 25024 : i32
    %mul3A_5 = arith.muli %rem3A_3, %mul3A_4 : i32
    %div3A = arith.constant 4 : i32
    %div3A_6 = arith.divsi %arg1, %div3A : i32
    "tpu.region"() ({
      %run_scoped3A = tpu.sem_alloc : memref<!tpu.dma_semaphore, #tpu.memory_space<semaphore_mem>>
      tpu.enqueue_dma source(%arg4 : memref<2000xf32, #tpu.memory_space<hbm>>) target(%arg15 : memref<2000xf32, #tpu.memory_space<vmem>>) target_semaphore(%run_scoped3A : memref<!tpu.dma_semaphore, #tpu.memory_space<semaphore_mem>>)
      tpu.wait_dma2 semaphore(%run_scoped3A : memref<!tpu.dma_semaphore, #tpu.memory_space<semaphore_mem>>) src(%arg4 : memref<2000xf32, #tpu.memory_space<hbm>>) dst(%arg15 : memref<2000xf32, #tpu.memory_space<vmem>>)
      tpu.yield
    }) : () -> ()
    %add3A = arith.constant 0 : i32
    %add3A_7 = arith.addi %mul3A_0, %add3A : i32
    "tpu.region"() ({
      %run_scoped3A = tpu.sem_alloc : memref<!tpu.dma_semaphore, #tpu.memory_space<semaphore_mem>>
      %dma_start3A_165 = tpu.memref_slice %arg18[%add3A_7] : memref<100096xf32, #tpu.memory_space<vmem_shared>> -> memref<2000xf32, #tpu.memory_space<vmem_shared>>
      %dma_start3A_166 = tpu.memref_slice %arg18[%add3A_7] : memref<100096xf32, #tpu.memory_space<vmem_shared>> -> memref<2000xf32, #tpu.memory_space<vmem_shared>>
      tpu.enqueue_dma source(%arg15 : memref<2000xf32, #tpu.memory_space<vmem>>) target(%dma_start3A_166 : memref<2000xf32, #tpu.memory_space<vmem_shared>>) target_semaphore(%run_scoped3A : memref<!tpu.dma_semaphore, #tpu.memory_space<semaphore_mem>>)
      %dma_wait3A = tpu.memref_slice %arg18[%add3A_7] : memref<100096xf32, #tpu.memory_space<vmem_shared>> -> memref<2000xf32, #tpu.memory_space<vmem_shared>>
      %dma_wait3A_167 = tpu.memref_slice %arg18[%add3A_7] : memref<100096xf32, #tpu.memory_space<vmem_shared>> -> memref<2000xf32, #tpu.memory_space<vmem_shared>>
      tpu.wait_dma2 semaphore(%run_scoped3A : memref<!tpu.dma_semaphore, #tpu.memory_space<semaphore_mem>>) src(%arg15 : memref<2000xf32, #tpu.memory_space<vmem>>) dst(%dma_wait3A_167 : memref<2000xf32, #tpu.memory_space<vmem_shared>>)
      tpu.yield
    }) : () -> ()
    %add3A_8 = arith.constant 2000 : i32
    %add3A_9 = arith.addi %mul3A_0, %add3A_8 : i32
    "tpu.region"() ({
      %run_scoped3A = tpu.sem_alloc : memref<!tpu.dma_semaphore, #tpu.memory_space<semaphore_mem>>
      %dma_start3A_165 = tpu.memref_slice %arg18[%add3A_9] : memref<100096xf32, #tpu.memory_space<vmem_shared>> -> memref<2000xf32, #tpu.memory_space<vmem_shared>>
      %dma_start3A_166 = tpu.memref_slice %arg18[%add3A_9] : memref<100096xf32, #tpu.memory_space<vmem_shared>> -> memref<2000xf32, #tpu.memory_space<vmem_shared>>
      tpu.enqueue_dma source(%arg15 : memref<2000xf32, #tpu.memory_space<vmem>>) target(%dma_start3A_166 : memref<2000xf32, #tpu.memory_space<vmem_shared>>) target_semaphore(%run_scoped3A : memref<!tpu.dma_semaphore, #tpu.memory_space<semaphore_mem>>)
      %dma_wait3A = tpu.memref_slice %arg18[%add3A_9] : memref<100096xf32, #tpu.memory_space<vmem_shared>> -> memref<2000xf32, #tpu.memory_space<vmem_shared>>
      %dma_wait3A_167 = tpu.memref_slice %arg18[%add3A_9] : memref<100096xf32, #tpu.memory_space<vmem_shared>> -> memref<2000xf32, #tpu.memory_space<vmem_shared>>
      tpu.wait_dma2 semaphore(%run_scoped3A : memref<!tpu.dma_semaphore, #tpu.memory_space<semaphore_mem>>) src(%arg15 : memref<2000xf32, #tpu.memory_space<vmem>>) dst(%dma_wait3A_167 : memref<2000xf32, #tpu.memory_space<vmem_shared>>)
      tpu.yield
    }) : () -> ()
    %add3A_10 = arith.constant 4000 : i32
    %add3A_11 = arith.addi %mul3A_0, %add3A_10 : i32
    "tpu.region"() ({
      %run_scoped3A = tpu.sem_alloc : memref<!tpu.dma_semaphore, #tpu.memory_space<semaphore_mem>>
      %dma_start3A_165 = tpu.memref_slice %arg18[%add3A_11] : memref<100096xf32, #tpu.memory_space<vmem_shared>> -> memref<2000xf32, #tpu.memory_space<vmem_shared>>
      %dma_start3A_166 = tpu.memref_slice %arg18[%add3A_11] : memref<100096xf32, #tpu.memory_space<vmem_shared>> -> memref<2000xf32, #tpu.memory_space<vmem_shared>>
      tpu.enqueue_dma source(%arg15 : memref<2000xf32, #tpu.memory_space<vmem>>) target(%dma_start3A_166 : memref<2000xf32, #tpu.memory_space<vmem_shared>>) target_semaphore(%run_scoped3A : memref<!tpu.dma_semaphore, #tpu.memory_space<semaphore_mem>>)
      %dma_wait3A = tpu.memref_slice %arg18[%add3A_11] : memref<100096xf32, #tpu.memory_space<vmem_shared>> -> memref<2000xf32, #tpu.memory_space<vmem_shared>>
      %dma_wait3A_167 = tpu.memref_slice %arg18[%add3A_11] : memref<100096xf32, #tpu.memory_space<vmem_shared>> -> memref<2000xf32, #tpu.memory_space<vmem_shared>>
      tpu.wait_dma2 semaphore(%run_scoped3A : memref<!tpu.dma_semaphore, #tpu.memory_space<semaphore_mem>>) src(%arg15 : memref<2000xf32, #tpu.memory_space<vmem>>) dst(%dma_wait3A_167 : memref<2000xf32, #tpu.memory_space<vmem_shared>>)
      tpu.yield
    }) : () -> ()
    %add3A_12 = arith.constant 6000 : i32
    %add3A_13 = arith.addi %mul3A_0, %add3A_12 : i32
    "tpu.region"() ({
      %run_scoped3A = tpu.sem_alloc : memref<!tpu.dma_semaphore, #tpu.memory_space<semaphore_mem>>
      %dma_start3A_165 = arith.constant 0 : i32
      %dma_start3A_166 = tpu.memref_slice %arg15[%dma_start3A_165] : memref<2000xf32, #tpu.memory_space<vmem>> -> memref<256xf32, #tpu.memory_space<vmem>>
      %dma_start3A_167 = tpu.memref_slice %arg18[%add3A_13] : memref<100096xf32, #tpu.memory_space<vmem_shared>> -> memref<256xf32, #tpu.memory_space<vmem_shared>>
      %dma_start3A_168 = tpu.memref_slice %arg18[%add3A_13] : memref<100096xf32, #tpu.memory_space<vmem_shared>> -> memref<256xf32, #tpu.memory_space<vmem_shared>>
      %dma_start3A_169 = arith.constant 0 : i32
      %dma_start3A_170 = tpu.memref_slice %arg15[%dma_start3A_169] : memref<2000xf32, #tpu.memory_space<vmem>> -> memref<256xf32, #tpu.memory_space<vmem>>
      tpu.enqueue_dma source(%dma_start3A_170 : memref<256xf32, #tpu.memory_space<vmem>>) target(%dma_start3A_168 : memref<256xf32, #tpu.memory_space<vmem_shared>>) target_semaphore(%run_scoped3A : memref<!tpu.dma_semaphore, #tpu.memory_space<semaphore_mem>>)
      %dma_wait3A = arith.constant 0 : i32
      %dma_wait3A_171 = tpu.memref_slice %arg15[%dma_wait3A] : memref<2000xf32, #tpu.memory_space<vmem>> -> memref<256xf32, #tpu.memory_space<vmem>>
      %dma_wait3A_172 = tpu.memref_slice %arg18[%add3A_13] : memref<100096xf32, #tpu.memory_space<vmem_shared>> -> memref<256xf32, #tpu.memory_space<vmem_shared>>
      %dma_wait3A_173 = tpu.memref_slice %arg18[%add3A_13] : memref<100096xf32, #tpu.memory_space<vmem_shared>> -> memref<256xf32, #tpu.memory_space<vmem_shared>>
      %dma_wait3A_174 = arith.constant 0 : i32
      %dma_wait3A_175 = tpu.memref_slice %arg15[%dma_wait3A_174] : memref<2000xf32, #tpu.memory_space<vmem>> -> memref<256xf32, #tpu.memory_space<vmem>>
      tpu.wait_dma2 semaphore(%run_scoped3A : memref<!tpu.dma_semaphore, #tpu.memory_space<semaphore_mem>>) src(%dma_wait3A_175 : memref<256xf32, #tpu.memory_space<vmem>>) dst(%dma_wait3A_173 : memref<256xf32, #tpu.memory_space<vmem_shared>>)
      tpu.yield
    }) : () -> ()
    %add3A_14 = arith.constant 0 : i32
    %add3A_15 = arith.addi %mul3A_0, %add3A_14 : i32
    "tpu.region"() ({
      %run_scoped3A = tpu.sem_alloc : memref<!tpu.dma_semaphore, #tpu.memory_space<semaphore_mem>>
      %dma_start3A_165 = tpu.memref_slice %arg19[%add3A_15] : memref<100096xf32, #tpu.memory_space<vmem_shared>> -> memref<2000xf32, #tpu.memory_space<vmem_shared>>
      %dma_start3A_166 = tpu.memref_slice %arg19[%add3A_15] : memref<100096xf32, #tpu.memory_space<vmem_shared>> -> memref<2000xf32, #tpu.memory_space<vmem_shared>>
      tpu.enqueue_dma source(%arg15 : memref<2000xf32, #tpu.memory_space<vmem>>) target(%dma_start3A_166 : memref<2000xf32, #tpu.memory_space<vmem_shared>>) target_semaphore(%run_scoped3A : memref<!tpu.dma_semaphore, #tpu.memory_space<semaphore_mem>>)
      %dma_wait3A = tpu.memref_slice %arg19[%add3A_15] : memref<100096xf32, #tpu.memory_space<vmem_shared>> -> memref<2000xf32, #tpu.memory_space<vmem_shared>>
      %dma_wait3A_167 = tpu.memref_slice %arg19[%add3A_15] : memref<100096xf32, #tpu.memory_space<vmem_shared>> -> memref<2000xf32, #tpu.memory_space<vmem_shared>>
      tpu.wait_dma2 semaphore(%run_scoped3A : memref<!tpu.dma_semaphore, #tpu.memory_space<semaphore_mem>>) src(%arg15 : memref<2000xf32, #tpu.memory_space<vmem>>) dst(%dma_wait3A_167 : memref<2000xf32, #tpu.memory_space<vmem_shared>>)
      tpu.yield
    }) : () -> ()
    %add3A_16 = arith.constant 2000 : i32
    %add3A_17 = arith.addi %mul3A_0, %add3A_16 : i32
    "tpu.region"() ({
      %run_scoped3A = tpu.sem_alloc : memref<!tpu.dma_semaphore, #tpu.memory_space<semaphore_mem>>
      %dma_start3A_165 = tpu.memref_slice %arg19[%add3A_17] : memref<100096xf32, #tpu.memory_space<vmem_shared>> -> memref<2000xf32, #tpu.memory_space<vmem_shared>>
      %dma_start3A_166 = tpu.memref_slice %arg19[%add3A_17] : memref<100096xf32, #tpu.memory_space<vmem_shared>> -> memref<2000xf32, #tpu.memory_space<vmem_shared>>
      tpu.enqueue_dma source(%arg15 : memref<2000xf32, #tpu.memory_space<vmem>>) target(%dma_start3A_166 : memref<2000xf32, #tpu.memory_space<vmem_shared>>) target_semaphore(%run_scoped3A : memref<!tpu.dma_semaphore, #tpu.memory_space<semaphore_mem>>)
      %dma_wait3A = tpu.memref_slice %arg19[%add3A_17] : memref<100096xf32, #tpu.memory_space<vmem_shared>> -> memref<2000xf32, #tpu.memory_space<vmem_shared>>
      %dma_wait3A_167 = tpu.memref_slice %arg19[%add3A_17] : memref<100096xf32, #tpu.memory_space<vmem_shared>> -> memref<2000xf32, #tpu.memory_space<vmem_shared>>
      tpu.wait_dma2 semaphore(%run_scoped3A : memref<!tpu.dma_semaphore, #tpu.memory_space<semaphore_mem>>) src(%arg15 : memref<2000xf32, #tpu.memory_space<vmem>>) dst(%dma_wait3A_167 : memref<2000xf32, #tpu.memory_space<vmem_shared>>)
      tpu.yield
    }) : () -> ()
    %add3A_18 = arith.constant 4000 : i32
    %add3A_19 = arith.addi %mul3A_0, %add3A_18 : i32
    "tpu.region"() ({
      %run_scoped3A = tpu.sem_alloc : memref<!tpu.dma_semaphore, #tpu.memory_space<semaphore_mem>>
      %dma_start3A_165 = tpu.memref_slice %arg19[%add3A_19] : memref<100096xf32, #tpu.memory_space<vmem_shared>> -> memref<2000xf32, #tpu.memory_space<vmem_shared>>
      %dma_start3A_166 = tpu.memref_slice %arg19[%add3A_19] : memref<100096xf32, #tpu.memory_space<vmem_shared>> -> memref<2000xf32, #tpu.memory_space<vmem_shared>>
      tpu.enqueue_dma source(%arg15 : memref<2000xf32, #tpu.memory_space<vmem>>) target(%dma_start3A_166 : memref<2000xf32, #tpu.memory_space<vmem_shared>>) target_semaphore(%run_scoped3A : memref<!tpu.dma_semaphore, #tpu.memory_space<semaphore_mem>>)
      %dma_wait3A = tpu.memref_slice %arg19[%add3A_19] : memref<100096xf32, #tpu.memory_space<vmem_shared>> -> memref<2000xf32, #tpu.memory_space<vmem_shared>>
      %dma_wait3A_167 = tpu.memref_slice %arg19[%add3A_19] : memref<100096xf32, #tpu.memory_space<vmem_shared>> -> memref<2000xf32, #tpu.memory_space<vmem_shared>>
      tpu.wait_dma2 semaphore(%run_scoped3A : memref<!tpu.dma_semaphore, #tpu.memory_space<semaphore_mem>>) src(%arg15 : memref<2000xf32, #tpu.memory_space<vmem>>) dst(%dma_wait3A_167 : memref<2000xf32, #tpu.memory_space<vmem_shared>>)
      tpu.yield
    }) : () -> ()
    %add3A_20 = arith.constant 6000 : i32
    %add3A_21 = arith.addi %mul3A_0, %add3A_20 : i32
    "tpu.region"() ({
      %run_scoped3A = tpu.sem_alloc : memref<!tpu.dma_semaphore, #tpu.memory_space<semaphore_mem>>
      %dma_start3A_165 = arith.constant 0 : i32
      %dma_start3A_166 = tpu.memref_slice %arg15[%dma_start3A_165] : memref<2000xf32, #tpu.memory_space<vmem>> -> memref<256xf32, #tpu.memory_space<vmem>>
      %dma_start3A_167 = tpu.memref_slice %arg19[%add3A_21] : memref<100096xf32, #tpu.memory_space<vmem_shared>> -> memref<256xf32, #tpu.memory_space<vmem_shared>>
      %dma_start3A_168 = tpu.memref_slice %arg19[%add3A_21] : memref<100096xf32, #tpu.memory_space<vmem_shared>> -> memref<256xf32, #tpu.memory_space<vmem_shared>>
      %dma_start3A_169 = arith.constant 0 : i32
      %dma_start3A_170 = tpu.memref_slice %arg15[%dma_start3A_169] : memref<2000xf32, #tpu.memory_space<vmem>> -> memref<256xf32, #tpu.memory_space<vmem>>
      tpu.enqueue_dma source(%dma_start3A_170 : memref<256xf32, #tpu.memory_space<vmem>>) target(%dma_start3A_168 : memref<256xf32, #tpu.memory_space<vmem_shared>>) target_semaphore(%run_scoped3A : memref<!tpu.dma_semaphore, #tpu.memory_space<semaphore_mem>>)
      %dma_wait3A = arith.constant 0 : i32
      %dma_wait3A_171 = tpu.memref_slice %arg15[%dma_wait3A] : memref<2000xf32, #tpu.memory_space<vmem>> -> memref<256xf32, #tpu.memory_space<vmem>>
      %dma_wait3A_172 = tpu.memref_slice %arg19[%add3A_21] : memref<100096xf32, #tpu.memory_space<vmem_shared>> -> memref<256xf32, #tpu.memory_space<vmem_shared>>
      %dma_wait3A_173 = tpu.memref_slice %arg19[%add3A_21] : memref<100096xf32, #tpu.memory_space<vmem_shared>> -> memref<256xf32, #tpu.memory_space<vmem_shared>>
      %dma_wait3A_174 = arith.constant 0 : i32
      %dma_wait3A_175 = tpu.memref_slice %arg15[%dma_wait3A_174] : memref<2000xf32, #tpu.memory_space<vmem>> -> memref<256xf32, #tpu.memory_space<vmem>>
      tpu.wait_dma2 semaphore(%run_scoped3A : memref<!tpu.dma_semaphore, #tpu.memory_space<semaphore_mem>>) src(%dma_wait3A_175 : memref<256xf32, #tpu.memory_space<vmem>>) dst(%dma_wait3A_173 : memref<256xf32, #tpu.memory_space<vmem_shared>>)
      tpu.yield
    }) : () -> ()
    %add3A_22 = arith.constant 0 : i32
    %add3A_23 = arith.addi %mul3A_0, %add3A_22 : i32
    "tpu.region"() ({
      %run_scoped3A = tpu.sem_alloc : memref<!tpu.dma_semaphore, #tpu.memory_space<semaphore_mem>>
      %dma_start3A_165 = tpu.memref_slice %arg20[%add3A_23] : memref<100096xf32, #tpu.memory_space<vmem_shared>> -> memref<2000xf32, #tpu.memory_space<vmem_shared>>
      %dma_start3A_166 = tpu.memref_slice %arg20[%add3A_23] : memref<100096xf32, #tpu.memory_space<vmem_shared>> -> memref<2000xf32, #tpu.memory_space<vmem_shared>>
      tpu.enqueue_dma source(%arg15 : memref<2000xf32, #tpu.memory_space<vmem>>) target(%dma_start3A_166 : memref<2000xf32, #tpu.memory_space<vmem_shared>>) target_semaphore(%run_scoped3A : memref<!tpu.dma_semaphore, #tpu.memory_space<semaphore_mem>>)
      %dma_wait3A = tpu.memref_slice %arg20[%add3A_23] : memref<100096xf32, #tpu.memory_space<vmem_shared>> -> memref<2000xf32, #tpu.memory_space<vmem_shared>>
      %dma_wait3A_167 = tpu.memref_slice %arg20[%add3A_23] : memref<100096xf32, #tpu.memory_space<vmem_shared>> -> memref<2000xf32, #tpu.memory_space<vmem_shared>>
      tpu.wait_dma2 semaphore(%run_scoped3A : memref<!tpu.dma_semaphore, #tpu.memory_space<semaphore_mem>>) src(%arg15 : memref<2000xf32, #tpu.memory_space<vmem>>) dst(%dma_wait3A_167 : memref<2000xf32, #tpu.memory_space<vmem_shared>>)
      tpu.yield
    }) : () -> ()
    %add3A_24 = arith.constant 2000 : i32
    %add3A_25 = arith.addi %mul3A_0, %add3A_24 : i32
    "tpu.region"() ({
      %run_scoped3A = tpu.sem_alloc : memref<!tpu.dma_semaphore, #tpu.memory_space<semaphore_mem>>
      %dma_start3A_165 = tpu.memref_slice %arg20[%add3A_25] : memref<100096xf32, #tpu.memory_space<vmem_shared>> -> memref<2000xf32, #tpu.memory_space<vmem_shared>>
      %dma_start3A_166 = tpu.memref_slice %arg20[%add3A_25] : memref<100096xf32, #tpu.memory_space<vmem_shared>> -> memref<2000xf32, #tpu.memory_space<vmem_shared>>
      tpu.enqueue_dma source(%arg15 : memref<2000xf32, #tpu.memory_space<vmem>>) target(%dma_start3A_166 : memref<2000xf32, #tpu.memory_space<vmem_shared>>) target_semaphore(%run_scoped3A : memref<!tpu.dma_semaphore, #tpu.memory_space<semaphore_mem>>)
      %dma_wait3A = tpu.memref_slice %arg20[%add3A_25] : memref<100096xf32, #tpu.memory_space<vmem_shared>> -> memref<2000xf32, #tpu.memory_space<vmem_shared>>
      %dma_wait3A_167 = tpu.memref_slice %arg20[%add3A_25] : memref<100096xf32, #tpu.memory_space<vmem_shared>> -> memref<2000xf32, #tpu.memory_space<vmem_shared>>
      tpu.wait_dma2 semaphore(%run_scoped3A : memref<!tpu.dma_semaphore, #tpu.memory_space<semaphore_mem>>) src(%arg15 : memref<2000xf32, #tpu.memory_space<vmem>>) dst(%dma_wait3A_167 : memref<2000xf32, #tpu.memory_space<vmem_shared>>)
      tpu.yield
    }) : () -> ()
    %add3A_26 = arith.constant 4000 : i32
    %add3A_27 = arith.addi %mul3A_0, %add3A_26 : i32
    "tpu.region"() ({
      %run_scoped3A = tpu.sem_alloc : memref<!tpu.dma_semaphore, #tpu.memory_space<semaphore_mem>>
      %dma_start3A_165 = tpu.memref_slice %arg20[%add3A_27] : memref<100096xf32, #tpu.memory_space<vmem_shared>> -> memref<2000xf32, #tpu.memory_space<vmem_shared>>
      %dma_start3A_166 = tpu.memref_slice %arg20[%add3A_27] : memref<100096xf32, #tpu.memory_space<vmem_shared>> -> memref<2000xf32, #tpu.memory_space<vmem_shared>>
      tpu.enqueue_dma source(%arg15 : memref<2000xf32, #tpu.memory_space<vmem>>) target(%dma_start3A_166 : memref<2000xf32, #tpu.memory_space<vmem_shared>>) target_semaphore(%run_scoped3A : memref<!tpu.dma_semaphore, #tpu.memory_space<semaphore_mem>>)
      %dma_wait3A = tpu.memref_slice %arg20[%add3A_27] : memref<100096xf32, #tpu.memory_space<vmem_shared>> -> memref<2000xf32, #tpu.memory_space<vmem_shared>>
      %dma_wait3A_167 = tpu.memref_slice %arg20[%add3A_27] : memref<100096xf32, #tpu.memory_space<vmem_shared>> -> memref<2000xf32, #tpu.memory_space<vmem_shared>>
      tpu.wait_dma2 semaphore(%run_scoped3A : memref<!tpu.dma_semaphore, #tpu.memory_space<semaphore_mem>>) src(%arg15 : memref<2000xf32, #tpu.memory_space<vmem>>) dst(%dma_wait3A_167 : memref<2000xf32, #tpu.memory_space<vmem_shared>>)
      tpu.yield
    }) : () -> ()
    %add3A_28 = arith.constant 6000 : i32
    %add3A_29 = arith.addi %mul3A_0, %add3A_28 : i32
    "tpu.region"() ({
      %run_scoped3A = tpu.sem_alloc : memref<!tpu.dma_semaphore, #tpu.memory_space<semaphore_mem>>
      %dma_start3A_165 = arith.constant 0 : i32
      %dma_start3A_166 = tpu.memref_slice %arg15[%dma_start3A_165] : memref<2000xf32, #tpu.memory_space<vmem>> -> memref<256xf32, #tpu.memory_space<vmem>>
      %dma_start3A_167 = tpu.memref_slice %arg20[%add3A_29] : memref<100096xf32, #tpu.memory_space<vmem_shared>> -> memref<256xf32, #tpu.memory_space<vmem_shared>>
      %dma_start3A_168 = tpu.memref_slice %arg20[%add3A_29] : memref<100096xf32, #tpu.memory_space<vmem_shared>> -> memref<256xf32, #tpu.memory_space<vmem_shared>>
      %dma_start3A_169 = arith.constant 0 : i32
      %dma_start3A_170 = tpu.memref_slice %arg15[%dma_start3A_169] : memref<2000xf32, #tpu.memory_space<vmem>> -> memref<256xf32, #tpu.memory_space<vmem>>
      tpu.enqueue_dma source(%dma_start3A_170 : memref<256xf32, #tpu.memory_space<vmem>>) target(%dma_start3A_168 : memref<256xf32, #tpu.memory_space<vmem_shared>>) target_semaphore(%run_scoped3A : memref<!tpu.dma_semaphore, #tpu.memory_space<semaphore_mem>>)
      %dma_wait3A = arith.constant 0 : i32
      %dma_wait3A_171 = tpu.memref_slice %arg15[%dma_wait3A] : memref<2000xf32, #tpu.memory_space<vmem>> -> memref<256xf32, #tpu.memory_space<vmem>>
      %dma_wait3A_172 = tpu.memref_slice %arg20[%add3A_29] : memref<100096xf32, #tpu.memory_space<vmem_shared>> -> memref<256xf32, #tpu.memory_space<vmem_shared>>
      %dma_wait3A_173 = tpu.memref_slice %arg20[%add3A_29] : memref<100096xf32, #tpu.memory_space<vmem_shared>> -> memref<256xf32, #tpu.memory_space<vmem_shared>>
      %dma_wait3A_174 = arith.constant 0 : i32
      %dma_wait3A_175 = tpu.memref_slice %arg15[%dma_wait3A_174] : memref<2000xf32, #tpu.memory_space<vmem>> -> memref<256xf32, #tpu.memory_space<vmem>>
      tpu.wait_dma2 semaphore(%run_scoped3A : memref<!tpu.dma_semaphore, #tpu.memory_space<semaphore_mem>>) src(%dma_wait3A_175 : memref<256xf32, #tpu.memory_space<vmem>>) dst(%dma_wait3A_173 : memref<256xf32, #tpu.memory_space<vmem_shared>>)
      tpu.yield
    }) : () -> ()
    %add3A_30 = arith.constant 0 : i32
    %add3A_31 = arith.addi %mul3A_0, %add3A_30 : i32
    "tpu.region"() ({
      %run_scoped3A = tpu.sem_alloc : memref<!tpu.dma_semaphore, #tpu.memory_space<semaphore_mem>>
      %dma_start3A_165 = tpu.memref_slice %arg21[%add3A_31] : memref<100096xf32, #tpu.memory_space<vmem_shared>> -> memref<2000xf32, #tpu.memory_space<vmem_shared>>
      %dma_start3A_166 = tpu.memref_slice %arg21[%add3A_31] : memref<100096xf32, #tpu.memory_space<vmem_shared>> -> memref<2000xf32, #tpu.memory_space<vmem_shared>>
      tpu.enqueue_dma source(%arg15 : memref<2000xf32, #tpu.memory_space<vmem>>) target(%dma_start3A_166 : memref<2000xf32, #tpu.memory_space<vmem_shared>>) target_semaphore(%run_scoped3A : memref<!tpu.dma_semaphore, #tpu.memory_space<semaphore_mem>>)
      %dma_wait3A = tpu.memref_slice %arg21[%add3A_31] : memref<100096xf32, #tpu.memory_space<vmem_shared>> -> memref<2000xf32, #tpu.memory_space<vmem_shared>>
      %dma_wait3A_167 = tpu.memref_slice %arg21[%add3A_31] : memref<100096xf32, #tpu.memory_space<vmem_shared>> -> memref<2000xf32, #tpu.memory_space<vmem_shared>>
      tpu.wait_dma2 semaphore(%run_scoped3A : memref<!tpu.dma_semaphore, #tpu.memory_space<semaphore_mem>>) src(%arg15 : memref<2000xf32, #tpu.memory_space<vmem>>) dst(%dma_wait3A_167 : memref<2000xf32, #tpu.memory_space<vmem_shared>>)
      tpu.yield
    }) : () -> ()
    %add3A_32 = arith.constant 2000 : i32
    %add3A_33 = arith.addi %mul3A_0, %add3A_32 : i32
    "tpu.region"() ({
      %run_scoped3A = tpu.sem_alloc : memref<!tpu.dma_semaphore, #tpu.memory_space<semaphore_mem>>
      %dma_start3A_165 = tpu.memref_slice %arg21[%add3A_33] : memref<100096xf32, #tpu.memory_space<vmem_shared>> -> memref<2000xf32, #tpu.memory_space<vmem_shared>>
      %dma_start3A_166 = tpu.memref_slice %arg21[%add3A_33] : memref<100096xf32, #tpu.memory_space<vmem_shared>> -> memref<2000xf32, #tpu.memory_space<vmem_shared>>
      tpu.enqueue_dma source(%arg15 : memref<2000xf32, #tpu.memory_space<vmem>>) target(%dma_start3A_166 : memref<2000xf32, #tpu.memory_space<vmem_shared>>) target_semaphore(%run_scoped3A : memref<!tpu.dma_semaphore, #tpu.memory_space<semaphore_mem>>)
      %dma_wait3A = tpu.memref_slice %arg21[%add3A_33] : memref<100096xf32, #tpu.memory_space<vmem_shared>> -> memref<2000xf32, #tpu.memory_space<vmem_shared>>
      %dma_wait3A_167 = tpu.memref_slice %arg21[%add3A_33] : memref<100096xf32, #tpu.memory_space<vmem_shared>> -> memref<2000xf32, #tpu.memory_space<vmem_shared>>
      tpu.wait_dma2 semaphore(%run_scoped3A : memref<!tpu.dma_semaphore, #tpu.memory_space<semaphore_mem>>) src(%arg15 : memref<2000xf32, #tpu.memory_space<vmem>>) dst(%dma_wait3A_167 : memref<2000xf32, #tpu.memory_space<vmem_shared>>)
      tpu.yield
    }) : () -> ()
    %add3A_34 = arith.constant 4000 : i32
    %add3A_35 = arith.addi %mul3A_0, %add3A_34 : i32
    "tpu.region"() ({
      %run_scoped3A = tpu.sem_alloc : memref<!tpu.dma_semaphore, #tpu.memory_space<semaphore_mem>>
      %dma_start3A_165 = tpu.memref_slice %arg21[%add3A_35] : memref<100096xf32, #tpu.memory_space<vmem_shared>> -> memref<2000xf32, #tpu.memory_space<vmem_shared>>
      %dma_start3A_166 = tpu.memref_slice %arg21[%add3A_35] : memref<100096xf32, #tpu.memory_space<vmem_shared>> -> memref<2000xf32, #tpu.memory_space<vmem_shared>>
      tpu.enqueue_dma source(%arg15 : memref<2000xf32, #tpu.memory_space<vmem>>) target(%dma_start3A_166 : memref<2000xf32, #tpu.memory_space<vmem_shared>>) target_semaphore(%run_scoped3A : memref<!tpu.dma_semaphore, #tpu.memory_space<semaphore_mem>>)
      %dma_wait3A = tpu.memref_slice %arg21[%add3A_35] : memref<100096xf32, #tpu.memory_space<vmem_shared>> -> memref<2000xf32, #tpu.memory_space<vmem_shared>>
      %dma_wait3A_167 = tpu.memref_slice %arg21[%add3A_35] : memref<100096xf32, #tpu.memory_space<vmem_shared>> -> memref<2000xf32, #tpu.memory_space<vmem_shared>>
      tpu.wait_dma2 semaphore(%run_scoped3A : memref<!tpu.dma_semaphore, #tpu.memory_space<semaphore_mem>>) src(%arg15 : memref<2000xf32, #tpu.memory_space<vmem>>) dst(%dma_wait3A_167 : memref<2000xf32, #tpu.memory_space<vmem_shared>>)
      tpu.yield
    }) : () -> ()
    %add3A_36 = arith.constant 6000 : i32
    %add3A_37 = arith.addi %mul3A_0, %add3A_36 : i32
    "tpu.region"() ({
      %run_scoped3A = tpu.sem_alloc : memref<!tpu.dma_semaphore, #tpu.memory_space<semaphore_mem>>
      %dma_start3A_165 = arith.constant 0 : i32
      %dma_start3A_166 = tpu.memref_slice %arg15[%dma_start3A_165] : memref<2000xf32, #tpu.memory_space<vmem>> -> memref<256xf32, #tpu.memory_space<vmem>>
      %dma_start3A_167 = tpu.memref_slice %arg21[%add3A_37] : memref<100096xf32, #tpu.memory_space<vmem_shared>> -> memref<256xf32, #tpu.memory_space<vmem_shared>>
      %dma_start3A_168 = tpu.memref_slice %arg21[%add3A_37] : memref<100096xf32, #tpu.memory_space<vmem_shared>> -> memref<256xf32, #tpu.memory_space<vmem_shared>>
      %dma_start3A_169 = arith.constant 0 : i32
      %dma_start3A_170 = tpu.memref_slice %arg15[%dma_start3A_169] : memref<2000xf32, #tpu.memory_space<vmem>> -> memref<256xf32, #tpu.memory_space<vmem>>
      tpu.enqueue_dma source(%dma_start3A_170 : memref<256xf32, #tpu.memory_space<vmem>>) target(%dma_start3A_168 : memref<256xf32, #tpu.memory_space<vmem_shared>>) target_semaphore(%run_scoped3A : memref<!tpu.dma_semaphore, #tpu.memory_space<semaphore_mem>>)
      %dma_wait3A = arith.constant 0 : i32
      %dma_wait3A_171 = tpu.memref_slice %arg15[%dma_wait3A] : memref<2000xf32, #tpu.memory_space<vmem>> -> memref<256xf32, #tpu.memory_space<vmem>>
      %dma_wait3A_172 = tpu.memref_slice %arg21[%add3A_37] : memref<100096xf32, #tpu.memory_space<vmem_shared>> -> memref<256xf32, #tpu.memory_space<vmem_shared>>
      %dma_wait3A_173 = tpu.memref_slice %arg21[%add3A_37] : memref<100096xf32, #tpu.memory_space<vmem_shared>> -> memref<256xf32, #tpu.memory_space<vmem_shared>>
      %dma_wait3A_174 = arith.constant 0 : i32
      %dma_wait3A_175 = tpu.memref_slice %arg15[%dma_wait3A_174] : memref<2000xf32, #tpu.memory_space<vmem>> -> memref<256xf32, #tpu.memory_space<vmem>>
      tpu.wait_dma2 semaphore(%run_scoped3A : memref<!tpu.dma_semaphore, #tpu.memory_space<semaphore_mem>>) src(%dma_wait3A_175 : memref<256xf32, #tpu.memory_space<vmem>>) dst(%dma_wait3A_173 : memref<256xf32, #tpu.memory_space<vmem_shared>>)
      tpu.yield
    }) : () -> ()
    %add3A_38 = arith.constant 0 : i32
    %add3A_39 = arith.addi %mul3A_0, %add3A_38 : i32
    "tpu.region"() ({
      %run_scoped3A = tpu.sem_alloc : memref<!tpu.dma_semaphore, #tpu.memory_space<semaphore_mem>>
      %dma_start3A_165 = tpu.memref_slice %arg22[%add3A_39] : memref<100096xf32, #tpu.memory_space<vmem_shared>> -> memref<2000xf32, #tpu.memory_space<vmem_shared>>
      %dma_start3A_166 = tpu.memref_slice %arg22[%add3A_39] : memref<100096xf32, #tpu.memory_space<vmem_shared>> -> memref<2000xf32, #tpu.memory_space<vmem_shared>>
      tpu.enqueue_dma source(%arg15 : memref<2000xf32, #tpu.memory_space<vmem>>) target(%dma_start3A_166 : memref<2000xf32, #tpu.memory_space<vmem_shared>>) target_semaphore(%run_scoped3A : memref<!tpu.dma_semaphore, #tpu.memory_space<semaphore_mem>>)
      %dma_wait3A = tpu.memref_slice %arg22[%add3A_39] : memref<100096xf32, #tpu.memory_space<vmem_shared>> -> memref<2000xf32, #tpu.memory_space<vmem_shared>>
      %dma_wait3A_167 = tpu.memref_slice %arg22[%add3A_39] : memref<100096xf32, #tpu.memory_space<vmem_shared>> -> memref<2000xf32, #tpu.memory_space<vmem_shared>>
      tpu.wait_dma2 semaphore(%run_scoped3A : memref<!tpu.dma_semaphore, #tpu.memory_space<semaphore_mem>>) src(%arg15 : memref<2000xf32, #tpu.memory_space<vmem>>) dst(%dma_wait3A_167 : memref<2000xf32, #tpu.memory_space<vmem_shared>>)
      tpu.yield
    }) : () -> ()
    %add3A_40 = arith.constant 2000 : i32
    %add3A_41 = arith.addi %mul3A_0, %add3A_40 : i32
    "tpu.region"() ({
      %run_scoped3A = tpu.sem_alloc : memref<!tpu.dma_semaphore, #tpu.memory_space<semaphore_mem>>
      %dma_start3A_165 = tpu.memref_slice %arg22[%add3A_41] : memref<100096xf32, #tpu.memory_space<vmem_shared>> -> memref<2000xf32, #tpu.memory_space<vmem_shared>>
      %dma_start3A_166 = tpu.memref_slice %arg22[%add3A_41] : memref<100096xf32, #tpu.memory_space<vmem_shared>> -> memref<2000xf32, #tpu.memory_space<vmem_shared>>
      tpu.enqueue_dma source(%arg15 : memref<2000xf32, #tpu.memory_space<vmem>>) target(%dma_start3A_166 : memref<2000xf32, #tpu.memory_space<vmem_shared>>) target_semaphore(%run_scoped3A : memref<!tpu.dma_semaphore, #tpu.memory_space<semaphore_mem>>)
      %dma_wait3A = tpu.memref_slice %arg22[%add3A_41] : memref<100096xf32, #tpu.memory_space<vmem_shared>> -> memref<2000xf32, #tpu.memory_space<vmem_shared>>
      %dma_wait3A_167 = tpu.memref_slice %arg22[%add3A_41] : memref<100096xf32, #tpu.memory_space<vmem_shared>> -> memref<2000xf32, #tpu.memory_space<vmem_shared>>
      tpu.wait_dma2 semaphore(%run_scoped3A : memref<!tpu.dma_semaphore, #tpu.memory_space<semaphore_mem>>) src(%arg15 : memref<2000xf32, #tpu.memory_space<vmem>>) dst(%dma_wait3A_167 : memref<2000xf32, #tpu.memory_space<vmem_shared>>)
      tpu.yield
    }) : () -> ()
    %add3A_42 = arith.constant 4000 : i32
    %add3A_43 = arith.addi %mul3A_0, %add3A_42 : i32
    "tpu.region"() ({
      %run_scoped3A = tpu.sem_alloc : memref<!tpu.dma_semaphore, #tpu.memory_space<semaphore_mem>>
      %dma_start3A_165 = tpu.memref_slice %arg22[%add3A_43] : memref<100096xf32, #tpu.memory_space<vmem_shared>> -> memref<2000xf32, #tpu.memory_space<vmem_shared>>
      %dma_start3A_166 = tpu.memref_slice %arg22[%add3A_43] : memref<100096xf32, #tpu.memory_space<vmem_shared>> -> memref<2000xf32, #tpu.memory_space<vmem_shared>>
      tpu.enqueue_dma source(%arg15 : memref<2000xf32, #tpu.memory_space<vmem>>) target(%dma_start3A_166 : memref<2000xf32, #tpu.memory_space<vmem_shared>>) target_semaphore(%run_scoped3A : memref<!tpu.dma_semaphore, #tpu.memory_space<semaphore_mem>>)
      %dma_wait3A = tpu.memref_slice %arg22[%add3A_43] : memref<100096xf32, #tpu.memory_space<vmem_shared>> -> memref<2000xf32, #tpu.memory_space<vmem_shared>>
      %dma_wait3A_167 = tpu.memref_slice %arg22[%add3A_43] : memref<100096xf32, #tpu.memory_space<vmem_shared>> -> memref<2000xf32, #tpu.memory_space<vmem_shared>>
      tpu.wait_dma2 semaphore(%run_scoped3A : memref<!tpu.dma_semaphore, #tpu.memory_space<semaphore_mem>>) src(%arg15 : memref<2000xf32, #tpu.memory_space<vmem>>) dst(%dma_wait3A_167 : memref<2000xf32, #tpu.memory_space<vmem_shared>>)
      tpu.yield
    }) : () -> ()
    %add3A_44 = arith.constant 6000 : i32
    %add3A_45 = arith.addi %mul3A_0, %add3A_44 : i32
    "tpu.region"() ({
      %run_scoped3A = tpu.sem_alloc : memref<!tpu.dma_semaphore, #tpu.memory_space<semaphore_mem>>
      %dma_start3A_165 = arith.constant 0 : i32
      %dma_start3A_166 = tpu.memref_slice %arg15[%dma_start3A_165] : memref<2000xf32, #tpu.memory_space<vmem>> -> memref<256xf32, #tpu.memory_space<vmem>>
      %dma_start3A_167 = tpu.memref_slice %arg22[%add3A_45] : memref<100096xf32, #tpu.memory_space<vmem_shared>> -> memref<256xf32, #tpu.memory_space<vmem_shared>>
      %dma_start3A_168 = tpu.memref_slice %arg22[%add3A_45] : memref<100096xf32, #tpu.memory_space<vmem_shared>> -> memref<256xf32, #tpu.memory_space<vmem_shared>>
      %dma_start3A_169 = arith.constant 0 : i32
      %dma_start3A_170 = tpu.memref_slice %arg15[%dma_start3A_169] : memref<2000xf32, #tpu.memory_space<vmem>> -> memref<256xf32, #tpu.memory_space<vmem>>
      tpu.enqueue_dma source(%dma_start3A_170 : memref<256xf32, #tpu.memory_space<vmem>>) target(%dma_start3A_168 : memref<256xf32, #tpu.memory_space<vmem_shared>>) target_semaphore(%run_scoped3A : memref<!tpu.dma_semaphore, #tpu.memory_space<semaphore_mem>>)
      %dma_wait3A = arith.constant 0 : i32
      %dma_wait3A_171 = tpu.memref_slice %arg15[%dma_wait3A] : memref<2000xf32, #tpu.memory_space<vmem>> -> memref<256xf32, #tpu.memory_space<vmem>>
      %dma_wait3A_172 = tpu.memref_slice %arg22[%add3A_45] : memref<100096xf32, #tpu.memory_space<vmem_shared>> -> memref<256xf32, #tpu.memory_space<vmem_shared>>
      %dma_wait3A_173 = tpu.memref_slice %arg22[%add3A_45] : memref<100096xf32, #tpu.memory_space<vmem_shared>> -> memref<256xf32, #tpu.memory_space<vmem_shared>>
      %dma_wait3A_174 = arith.constant 0 : i32
      %dma_wait3A_175 = tpu.memref_slice %arg15[%dma_wait3A_174] : memref<2000xf32, #tpu.memory_space<vmem>> -> memref<256xf32, #tpu.memory_space<vmem>>
      tpu.wait_dma2 semaphore(%run_scoped3A : memref<!tpu.dma_semaphore, #tpu.memory_space<semaphore_mem>>) src(%dma_wait3A_175 : memref<256xf32, #tpu.memory_space<vmem>>) dst(%dma_wait3A_173 : memref<256xf32, #tpu.memory_space<vmem_shared>>)
      tpu.yield
    }) : () -> ()
    "tpu.region"() ({
      %run_scoped3A = tpu.sem_alloc : memref<!tpu.dma_semaphore, #tpu.memory_space<semaphore_mem>>
      tpu.enqueue_dma source(%arg5 : memref<25040xf32, #tpu.memory_space<hbm>>) target(%arg17 : memref<25040xf32, #tpu.memory_space<vmem>>) target_semaphore(%run_scoped3A : memref<!tpu.dma_semaphore, #tpu.memory_space<semaphore_mem>>)
      tpu.wait_dma2 semaphore(%run_scoped3A : memref<!tpu.dma_semaphore, #tpu.memory_space<semaphore_mem>>) src(%arg5 : memref<25040xf32, #tpu.memory_space<hbm>>) dst(%arg17 : memref<25040xf32, #tpu.memory_space<vmem>>)
      tpu.yield
    }) : () -> ()
    "tpu.region"() ({
      %run_scoped3A = tpu.sem_alloc : memref<!tpu.dma_semaphore, #tpu.memory_space<semaphore_mem>>
      tpu.enqueue_dma source(%arg6 : memref<2000xf32, #tpu.memory_space<hbm>>) target(%arg14 : memref<2000xf32, #tpu.memory_space<vmem>>) target_semaphore(%run_scoped3A : memref<!tpu.dma_semaphore, #tpu.memory_space<semaphore_mem>>)
      tpu.wait_dma2 semaphore(%run_scoped3A : memref<!tpu.dma_semaphore, #tpu.memory_space<semaphore_mem>>) src(%arg6 : memref<2000xf32, #tpu.memory_space<hbm>>) dst(%arg14 : memref<2000xf32, #tpu.memory_space<vmem>>)
      tpu.yield
    }) : () -> ()
    %barrier3A = arith.constant 0 : index
    tpu.barrier barrier_id(%barrier3A)
    %iota3A = tpu.iota {dimensions = array<i32: 0>} : vector<16xi32>
    %add3A_46 = arith.constant 0 : i32
    %add3A_47 = arith.addi %mul3A_2, %add3A_46 : i32
    %add3A_48 = arith.constant 3200000 : i32
    %add3A_49 = arith.addi %add3A_48, %add3A_47 : i32
    %dma_start3A = tpu.memref_slice %arg2[%add3A_49] : memref<6400000xi32, #tpu.memory_space<hbm>> -> memref<2000xi32, #tpu.memory_space<hbm>>
    %dma_start3A_50 = tpu.memref_slice %arg2[%add3A_49] : memref<6400000xi32, #tpu.memory_space<hbm>> -> memref<2000xi32, #tpu.memory_space<hbm>>
    tpu.enqueue_dma source(%dma_start3A_50 : memref<2000xi32, #tpu.memory_space<hbm>>) target(%arg10 : memref<2000xi32, #tpu.memory_space<vmem>>) target_semaphore(%arg23 : memref<!tpu.dma_semaphore, #tpu.memory_space<semaphore_mem>>)
    %add3A_51 = arith.constant 0 : i32
    %add3A_52 = arith.addi %add3A_51, %add3A_47 : i32
    %dma_start3A_53 = arith.constant 0 : i32
    %dma_start3A_54 = tpu.memref_slice %arg12[%dma_start3A_53] : memref<8000xf32, #tpu.memory_space<vmem>> -> memref<2000xf32, #tpu.memory_space<vmem>>
    %dma_start3A_55 = tpu.memref_slice %arg3[%add3A_52] : memref<12800000xf32, #tpu.memory_space<hbm>> -> memref<2000xf32, #tpu.memory_space<hbm>>
    %dma_start3A_56 = arith.constant 0 : i32
    %dma_start3A_57 = tpu.memref_slice %arg12[%dma_start3A_56] : memref<8000xf32, #tpu.memory_space<vmem>> -> memref<2000xf32, #tpu.memory_space<vmem>>
    %dma_start3A_58 = tpu.memref_slice %arg3[%add3A_52] : memref<12800000xf32, #tpu.memory_space<hbm>> -> memref<2000xf32, #tpu.memory_space<hbm>>
    tpu.enqueue_dma source(%dma_start3A_58 : memref<2000xf32, #tpu.memory_space<hbm>>) target(%dma_start3A_57 : memref<2000xf32, #tpu.memory_space<vmem>>) target_semaphore(%arg25 : memref<!tpu.dma_semaphore, #tpu.memory_space<semaphore_mem>>)
    %add3A_59 = arith.constant 3200000 : i32
    %add3A_60 = arith.addi %add3A_59, %add3A_47 : i32
    %dma_start3A_61 = arith.constant 2000 : i32
    %dma_start3A_62 = tpu.memref_slice %arg12[%dma_start3A_61] : memref<8000xf32, #tpu.memory_space<vmem>> -> memref<2000xf32, #tpu.memory_space<vmem>>
    %dma_start3A_63 = tpu.memref_slice %arg3[%add3A_60] : memref<12800000xf32, #tpu.memory_space<hbm>> -> memref<2000xf32, #tpu.memory_space<hbm>>
    %dma_start3A_64 = arith.constant 2000 : i32
    %dma_start3A_65 = tpu.memref_slice %arg12[%dma_start3A_64] : memref<8000xf32, #tpu.memory_space<vmem>> -> memref<2000xf32, #tpu.memory_space<vmem>>
    %dma_start3A_66 = tpu.memref_slice %arg3[%add3A_60] : memref<12800000xf32, #tpu.memory_space<hbm>> -> memref<2000xf32, #tpu.memory_space<hbm>>
    tpu.enqueue_dma source(%dma_start3A_66 : memref<2000xf32, #tpu.memory_space<hbm>>) target(%dma_start3A_65 : memref<2000xf32, #tpu.memory_space<vmem>>) target_semaphore(%arg25 : memref<!tpu.dma_semaphore, #tpu.memory_space<semaphore_mem>>)
    %add3A_67 = arith.constant 6400000 : i32
    %add3A_68 = arith.addi %add3A_67, %add3A_47 : i32
    %dma_start3A_69 = arith.constant 4000 : i32
    %dma_start3A_70 = tpu.memref_slice %arg12[%dma_start3A_69] : memref<8000xf32, #tpu.memory_space<vmem>> -> memref<2000xf32, #tpu.memory_space<vmem>>
    %dma_start3A_71 = tpu.memref_slice %arg3[%add3A_68] : memref<12800000xf32, #tpu.memory_space<hbm>> -> memref<2000xf32, #tpu.memory_space<hbm>>
    %dma_start3A_72 = arith.constant 4000 : i32
    %dma_start3A_73 = tpu.memref_slice %arg12[%dma_start3A_72] : memref<8000xf32, #tpu.memory_space<vmem>> -> memref<2000xf32, #tpu.memory_space<vmem>>
    %dma_start3A_74 = tpu.memref_slice %arg3[%add3A_68] : memref<12800000xf32, #tpu.memory_space<hbm>> -> memref<2000xf32, #tpu.memory_space<hbm>>
    tpu.enqueue_dma source(%dma_start3A_74 : memref<2000xf32, #tpu.memory_space<hbm>>) target(%dma_start3A_73 : memref<2000xf32, #tpu.memory_space<vmem>>) target_semaphore(%arg25 : memref<!tpu.dma_semaphore, #tpu.memory_space<semaphore_mem>>)
    %add3A_75 = arith.constant 9600000 : i32
    %add3A_76 = arith.addi %add3A_75, %add3A_47 : i32
    %dma_start3A_77 = arith.constant 6000 : i32
    %dma_start3A_78 = tpu.memref_slice %arg12[%dma_start3A_77] : memref<8000xf32, #tpu.memory_space<vmem>> -> memref<2000xf32, #tpu.memory_space<vmem>>
    %dma_start3A_79 = tpu.memref_slice %arg3[%add3A_76] : memref<12800000xf32, #tpu.memory_space<hbm>> -> memref<2000xf32, #tpu.memory_space<hbm>>
    %dma_start3A_80 = arith.constant 6000 : i32
    %dma_start3A_81 = tpu.memref_slice %arg12[%dma_start3A_80] : memref<8000xf32, #tpu.memory_space<vmem>> -> memref<2000xf32, #tpu.memory_space<vmem>>
    %dma_start3A_82 = tpu.memref_slice %arg3[%add3A_76] : memref<12800000xf32, #tpu.memory_space<hbm>> -> memref<2000xf32, #tpu.memory_space<hbm>>
    tpu.enqueue_dma source(%dma_start3A_82 : memref<2000xf32, #tpu.memory_space<hbm>>) target(%dma_start3A_81 : memref<2000xf32, #tpu.memory_space<vmem>>) target_semaphore(%arg25 : memref<!tpu.dma_semaphore, #tpu.memory_space<semaphore_mem>>)
    %add3A_83 = arith.constant 2000 : i32
    %add3A_84 = arith.addi %mul3A_2, %add3A_83 : i32
    %add3A_85 = arith.constant 3200000 : i32
    %add3A_86 = arith.addi %add3A_85, %add3A_84 : i32
    %dma_start3A_87 = tpu.memref_slice %arg2[%add3A_86] : memref<6400000xi32, #tpu.memory_space<hbm>> -> memref<2000xi32, #tpu.memory_space<hbm>>
    %dma_start3A_88 = tpu.memref_slice %arg2[%add3A_86] : memref<6400000xi32, #tpu.memory_space<hbm>> -> memref<2000xi32, #tpu.memory_space<hbm>>
    tpu.enqueue_dma source(%dma_start3A_88 : memref<2000xi32, #tpu.memory_space<hbm>>) target(%arg11 : memref<2000xi32, #tpu.memory_space<vmem>>) target_semaphore(%arg24 : memref<!tpu.dma_semaphore, #tpu.memory_space<semaphore_mem>>)
    %add3A_89 = arith.constant 0 : i32
    %add3A_90 = arith.addi %add3A_89, %add3A_84 : i32
    %dma_start3A_91 = arith.constant 0 : i32
    %dma_start3A_92 = tpu.memref_slice %arg13[%dma_start3A_91] : memref<8000xf32, #tpu.memory_space<vmem>> -> memref<2000xf32, #tpu.memory_space<vmem>>
    %dma_start3A_93 = tpu.memref_slice %arg3[%add3A_90] : memref<12800000xf32, #tpu.memory_space<hbm>> -> memref<2000xf32, #tpu.memory_space<hbm>>
    %dma_start3A_94 = arith.constant 0 : i32
    %dma_start3A_95 = tpu.memref_slice %arg13[%dma_start3A_94] : memref<8000xf32, #tpu.memory_space<vmem>> -> memref<2000xf32, #tpu.memory_space<vmem>>
    %dma_start3A_96 = tpu.memref_slice %arg3[%add3A_90] : memref<12800000xf32, #tpu.memory_space<hbm>> -> memref<2000xf32, #tpu.memory_space<hbm>>
    tpu.enqueue_dma source(%dma_start3A_96 : memref<2000xf32, #tpu.memory_space<hbm>>) target(%dma_start3A_95 : memref<2000xf32, #tpu.memory_space<vmem>>) target_semaphore(%arg26 : memref<!tpu.dma_semaphore, #tpu.memory_space<semaphore_mem>>)
    %add3A_97 = arith.constant 3200000 : i32
    %add3A_98 = arith.addi %add3A_97, %add3A_84 : i32
    %dma_start3A_99 = arith.constant 2000 : i32
    %dma_start3A_100 = tpu.memref_slice %arg13[%dma_start3A_99] : memref<8000xf32, #tpu.memory_space<vmem>> -> memref<2000xf32, #tpu.memory_space<vmem>>
    %dma_start3A_101 = tpu.memref_slice %arg3[%add3A_98] : memref<12800000xf32, #tpu.memory_space<hbm>> -> memref<2000xf32, #tpu.memory_space<hbm>>
    %dma_start3A_102 = arith.constant 2000 : i32
    %dma_start3A_103 = tpu.memref_slice %arg13[%dma_start3A_102] : memref<8000xf32, #tpu.memory_space<vmem>> -> memref<2000xf32, #tpu.memory_space<vmem>>
    %dma_start3A_104 = tpu.memref_slice %arg3[%add3A_98] : memref<12800000xf32, #tpu.memory_space<hbm>> -> memref<2000xf32, #tpu.memory_space<hbm>>
    tpu.enqueue_dma source(%dma_start3A_104 : memref<2000xf32, #tpu.memory_space<hbm>>) target(%dma_start3A_103 : memref<2000xf32, #tpu.memory_space<vmem>>) target_semaphore(%arg26 : memref<!tpu.dma_semaphore, #tpu.memory_space<semaphore_mem>>)
    %add3A_105 = arith.constant 6400000 : i32
    %add3A_106 = arith.addi %add3A_105, %add3A_84 : i32
    %dma_start3A_107 = arith.constant 4000 : i32
    %dma_start3A_108 = tpu.memref_slice %arg13[%dma_start3A_107] : memref<8000xf32, #tpu.memory_space<vmem>> -> memref<2000xf32, #tpu.memory_space<vmem>>
    %dma_start3A_109 = tpu.memref_slice %arg3[%add3A_106] : memref<12800000xf32, #tpu.memory_space<hbm>> -> memref<2000xf32, #tpu.memory_space<hbm>>
    %dma_start3A_110 = arith.constant 4000 : i32
    %dma_start3A_111 = tpu.memref_slice %arg13[%dma_start3A_110] : memref<8000xf32, #tpu.memory_space<vmem>> -> memref<2000xf32, #tpu.memory_space<vmem>>
    %dma_start3A_112 = tpu.memref_slice %arg3[%add3A_106] : memref<12800000xf32, #tpu.memory_space<hbm>> -> memref<2000xf32, #tpu.memory_space<hbm>>
    tpu.enqueue_dma source(%dma_start3A_112 : memref<2000xf32, #tpu.memory_space<hbm>>) target(%dma_start3A_111 : memref<2000xf32, #tpu.memory_space<vmem>>) target_semaphore(%arg26 : memref<!tpu.dma_semaphore, #tpu.memory_space<semaphore_mem>>)
    %add3A_113 = arith.constant 9600000 : i32
    %add3A_114 = arith.addi %add3A_113, %add3A_84 : i32
    %dma_start3A_115 = arith.constant 6000 : i32
    %dma_start3A_116 = tpu.memref_slice %arg13[%dma_start3A_115] : memref<8000xf32, #tpu.memory_space<vmem>> -> memref<2000xf32, #tpu.memory_space<vmem>>
    %dma_start3A_117 = tpu.memref_slice %arg3[%add3A_114] : memref<12800000xf32, #tpu.memory_space<hbm>> -> memref<2000xf32, #tpu.memory_space<hbm>>
    %dma_start3A_118 = arith.constant 6000 : i32
    %dma_start3A_119 = tpu.memref_slice %arg13[%dma_start3A_118] : memref<8000xf32, #tpu.memory_space<vmem>> -> memref<2000xf32, #tpu.memory_space<vmem>>
    %dma_start3A_120 = tpu.memref_slice %arg3[%add3A_114] : memref<12800000xf32, #tpu.memory_space<hbm>> -> memref<2000xf32, #tpu.memory_space<hbm>>
    tpu.enqueue_dma source(%dma_start3A_120 : memref<2000xf32, #tpu.memory_space<hbm>>) target(%dma_start3A_119 : memref<2000xf32, #tpu.memory_space<vmem>>) target_semaphore(%arg26 : memref<!tpu.dma_semaphore, #tpu.memory_space<semaphore_mem>>)
    %scan3A = arith.constant 0 : i32
    %scan3A_121 = arith.constant 0 : i32
    %scan3A_122 = arith.constant 400 : i32
    %scan3A_123 = arith.addi %scan3A_121, %scan3A_122 : i32
    %scan3A_124 = arith.constant 1 : i32
    %scan3A_125 = scf.for %scan3A_165 = %scan3A_121 to %scan3A_123 step %scan3A_124 iter_args(%scan3A_166 = %scan3A) -> (i32)  : i32 {
      %mul3A_167 = arith.constant 2 : i32
      %mul3A_168 = arith.muli %mul3A_167, %scan3A_165 : i32
      %add3A_169 = arith.constant 0 : i32
      %add3A_170 = arith.addi %mul3A_168, %add3A_169 : i32
      %mul3A_171 = arith.constant 2000 : i32
      %mul3A_172 = arith.muli %add3A_170, %mul3A_171 : i32
      %add3A_173 = arith.addi %mul3A_2, %mul3A_172 : i32
      %add3A_174 = arith.constant 3200000 : i32
      %add3A_175 = arith.addi %add3A_174, %add3A_173 : i32
      %dma_wait3A = tpu.memref_slice %arg2[%add3A_175] : memref<6400000xi32, #tpu.memory_space<hbm>> -> memref<2000xi32, #tpu.memory_space<hbm>>
      %dma_wait3A_176 = tpu.memref_slice %arg2[%add3A_175] : memref<6400000xi32, #tpu.memory_space<hbm>> -> memref<2000xi32, #tpu.memory_space<hbm>>
      tpu.wait_dma2 semaphore(%arg23 : memref<!tpu.dma_semaphore, #tpu.memory_space<semaphore_mem>>) src(%dma_wait3A_176 : memref<2000xi32, #tpu.memory_space<hbm>>) dst(%arg10 : memref<2000xi32, #tpu.memory_space<vmem>>)
      %add3A_177 = arith.constant 0 : i32
      %add3A_178 = arith.addi %add3A_177, %add3A_173 : i32
      %dma_wait3A_179 = arith.constant 0 : i32
      %dma_wait3A_180 = tpu.memref_slice %arg12[%dma_wait3A_179] : memref<8000xf32, #tpu.memory_space<vmem>> -> memref<2000xf32, #tpu.memory_space<vmem>>
      %dma_wait3A_181 = tpu.memref_slice %arg3[%add3A_178] : memref<12800000xf32, #tpu.memory_space<hbm>> -> memref<2000xf32, #tpu.memory_space<hbm>>
      %dma_wait3A_182 = arith.constant 0 : i32
      %dma_wait3A_183 = tpu.memref_slice %arg12[%dma_wait3A_182] : memref<8000xf32, #tpu.memory_space<vmem>> -> memref<2000xf32, #tpu.memory_space<vmem>>
      %dma_wait3A_184 = tpu.memref_slice %arg3[%add3A_178] : memref<12800000xf32, #tpu.memory_space<hbm>> -> memref<2000xf32, #tpu.memory_space<hbm>>
      tpu.wait_dma2 semaphore(%arg25 : memref<!tpu.dma_semaphore, #tpu.memory_space<semaphore_mem>>) src(%dma_wait3A_184 : memref<2000xf32, #tpu.memory_space<hbm>>) dst(%dma_wait3A_183 : memref<2000xf32, #tpu.memory_space<vmem>>)
      %add3A_185 = arith.constant 3200000 : i32
      %add3A_186 = arith.addi %add3A_185, %add3A_173 : i32
      %dma_wait3A_187 = arith.constant 2000 : i32
      %dma_wait3A_188 = tpu.memref_slice %arg12[%dma_wait3A_187] : memref<8000xf32, #tpu.memory_space<vmem>> -> memref<2000xf32, #tpu.memory_space<vmem>>
      %dma_wait3A_189 = tpu.memref_slice %arg3[%add3A_186] : memref<12800000xf32, #tpu.memory_space<hbm>> -> memref<2000xf32, #tpu.memory_space<hbm>>
      %dma_wait3A_190 = arith.constant 2000 : i32
      %dma_wait3A_191 = tpu.memref_slice %arg12[%dma_wait3A_190] : memref<8000xf32, #tpu.memory_space<vmem>> -> memref<2000xf32, #tpu.memory_space<vmem>>
      %dma_wait3A_192 = tpu.memref_slice %arg3[%add3A_186] : memref<12800000xf32, #tpu.memory_space<hbm>> -> memref<2000xf32, #tpu.memory_space<hbm>>
      tpu.wait_dma2 semaphore(%arg25 : memref<!tpu.dma_semaphore, #tpu.memory_space<semaphore_mem>>) src(%dma_wait3A_192 : memref<2000xf32, #tpu.memory_space<hbm>>) dst(%dma_wait3A_191 : memref<2000xf32, #tpu.memory_space<vmem>>)
      %add3A_193 = arith.constant 6400000 : i32
      %add3A_194 = arith.addi %add3A_193, %add3A_173 : i32
      %dma_wait3A_195 = arith.constant 4000 : i32
      %dma_wait3A_196 = tpu.memref_slice %arg12[%dma_wait3A_195] : memref<8000xf32, #tpu.memory_space<vmem>> -> memref<2000xf32, #tpu.memory_space<vmem>>
      %dma_wait3A_197 = tpu.memref_slice %arg3[%add3A_194] : memref<12800000xf32, #tpu.memory_space<hbm>> -> memref<2000xf32, #tpu.memory_space<hbm>>
      %dma_wait3A_198 = arith.constant 4000 : i32
      %dma_wait3A_199 = tpu.memref_slice %arg12[%dma_wait3A_198] : memref<8000xf32, #tpu.memory_space<vmem>> -> memref<2000xf32, #tpu.memory_space<vmem>>
      %dma_wait3A_200 = tpu.memref_slice %arg3[%add3A_194] : memref<12800000xf32, #tpu.memory_space<hbm>> -> memref<2000xf32, #tpu.memory_space<hbm>>
      tpu.wait_dma2 semaphore(%arg25 : memref<!tpu.dma_semaphore, #tpu.memory_space<semaphore_mem>>) src(%dma_wait3A_200 : memref<2000xf32, #tpu.memory_space<hbm>>) dst(%dma_wait3A_199 : memref<2000xf32, #tpu.memory_space<vmem>>)
      %add3A_201 = arith.constant 9600000 : i32
      %add3A_202 = arith.addi %add3A_201, %add3A_173 : i32
      %dma_wait3A_203 = arith.constant 6000 : i32
      %dma_wait3A_204 = tpu.memref_slice %arg12[%dma_wait3A_203] : memref<8000xf32, #tpu.memory_space<vmem>> -> memref<2000xf32, #tpu.memory_space<vmem>>
      %dma_wait3A_205 = tpu.memref_slice %arg3[%add3A_202] : memref<12800000xf32, #tpu.memory_space<hbm>> -> memref<2000xf32, #tpu.memory_space<hbm>>
      %dma_wait3A_206 = arith.constant 6000 : i32
      %dma_wait3A_207 = tpu.memref_slice %arg12[%dma_wait3A_206] : memref<8000xf32, #tpu.memory_space<vmem>> -> memref<2000xf32, #tpu.memory_space<vmem>>
      %dma_wait3A_208 = tpu.memref_slice %arg3[%add3A_202] : memref<12800000xf32, #tpu.memory_space<hbm>> -> memref<2000xf32, #tpu.memory_space<hbm>>
      tpu.wait_dma2 semaphore(%arg25 : memref<!tpu.dma_semaphore, #tpu.memory_space<semaphore_mem>>) src(%dma_wait3A_208 : memref<2000xf32, #tpu.memory_space<hbm>>) dst(%dma_wait3A_207 : memref<2000xf32, #tpu.memory_space<vmem>>)
      %rem3A_209 = arith.constant 16 : i32
      %rem3A_210 = arith.remsi %add3A_170, %rem3A_209 : i32
      %eq3A = arith.cmpi eq, %rem3A_210, %arg1 : i32
      %convert_element_type3A = arith.extui %eq3A : i1 to i32
      %cond3A = arith.constant 0 : i32
      %cond3A_211 = arith.cmpi ne, %convert_element_type3A, %cond3A : i32
      scf.if %cond3A_211 {
        %dma_start3A_295 = arith.constant 0 : i32
        %dma_start3A_296 = tpu.memref_slice %arg12[%dma_start3A_295] : memref<8000xf32, #tpu.memory_space<vmem>> -> memref<2000xf32, #tpu.memory_space<vmem>>
        %dma_start3A_297 = arith.constant 0 : i32
        %dma_start3A_298 = tpu.memref_slice %arg18[%dma_start3A_297] : memref<100096xf32, #tpu.memory_space<vmem_shared>> -> memref<100096xf32, #tpu.memory_space<vmem_shared>>
        tpu.enqueue_indirect_dma source(%dma_start3A_296 : memref<2000xf32, #tpu.memory_space<vmem>>) target(%dma_start3A_298 : memref<100096xf32, #tpu.memory_space<vmem_shared>>) offsets(%arg10 : memref<2000xi32, #tpu.memory_space<vmem>>) semaphore(%arg27 : memref<!tpu.dma_semaphore, #tpu.memory_space<semaphore_mem>>) {add = true}
        %dma_start3A_299 = arith.constant 2000 : i32
        %dma_start3A_300 = tpu.memref_slice %arg12[%dma_start3A_299] : memref<8000xf32, #tpu.memory_space<vmem>> -> memref<2000xf32, #tpu.memory_space<vmem>>
        %dma_start3A_301 = arith.constant 0 : i32
        %dma_start3A_302 = tpu.memref_slice %arg19[%dma_start3A_301] : memref<100096xf32, #tpu.memory_space<vmem_shared>> -> memref<100096xf32, #tpu.memory_space<vmem_shared>>
        tpu.enqueue_indirect_dma source(%dma_start3A_300 : memref<2000xf32, #tpu.memory_space<vmem>>) target(%dma_start3A_302 : memref<100096xf32, #tpu.memory_space<vmem_shared>>) offsets(%arg10 : memref<2000xi32, #tpu.memory_space<vmem>>) semaphore(%arg27 : memref<!tpu.dma_semaphore, #tpu.memory_space<semaphore_mem>>) {add = true}
        %dma_start3A_303 = arith.constant 4000 : i32
        %dma_start3A_304 = tpu.memref_slice %arg12[%dma_start3A_303] : memref<8000xf32, #tpu.memory_space<vmem>> -> memref<2000xf32, #tpu.memory_space<vmem>>
        %dma_start3A_305 = arith.constant 0 : i32
        %dma_start3A_306 = tpu.memref_slice %arg20[%dma_start3A_305] : memref<100096xf32, #tpu.memory_space<vmem_shared>> -> memref<100096xf32, #tpu.memory_space<vmem_shared>>
        tpu.enqueue_indirect_dma source(%dma_start3A_304 : memref<2000xf32, #tpu.memory_space<vmem>>) target(%dma_start3A_306 : memref<100096xf32, #tpu.memory_space<vmem_shared>>) offsets(%arg10 : memref<2000xi32, #tpu.memory_space<vmem>>) semaphore(%arg27 : memref<!tpu.dma_semaphore, #tpu.memory_space<semaphore_mem>>) {add = true}
        %dma_start3A_307 = arith.constant 6000 : i32
        %dma_start3A_308 = tpu.memref_slice %arg12[%dma_start3A_307] : memref<8000xf32, #tpu.memory_space<vmem>> -> memref<2000xf32, #tpu.memory_space<vmem>>
        %dma_start3A_309 = arith.constant 0 : i32
        %dma_start3A_310 = tpu.memref_slice %arg21[%dma_start3A_309] : memref<100096xf32, #tpu.memory_space<vmem_shared>> -> memref<100096xf32, #tpu.memory_space<vmem_shared>>
        tpu.enqueue_indirect_dma source(%dma_start3A_308 : memref<2000xf32, #tpu.memory_space<vmem>>) target(%dma_start3A_310 : memref<100096xf32, #tpu.memory_space<vmem_shared>>) offsets(%arg10 : memref<2000xi32, #tpu.memory_space<vmem>>) semaphore(%arg27 : memref<!tpu.dma_semaphore, #tpu.memory_space<semaphore_mem>>) {add = true}
        %dma_start3A_311 = arith.constant 0 : i32
        %dma_start3A_312 = tpu.memref_slice %arg22[%dma_start3A_311] : memref<100096xf32, #tpu.memory_space<vmem_shared>> -> memref<100096xf32, #tpu.memory_space<vmem_shared>>
        tpu.enqueue_indirect_dma source(%arg14 : memref<2000xf32, #tpu.memory_space<vmem>>) target(%dma_start3A_312 : memref<100096xf32, #tpu.memory_space<vmem_shared>>) offsets(%arg10 : memref<2000xi32, #tpu.memory_space<vmem>>) semaphore(%arg27 : memref<!tpu.dma_semaphore, #tpu.memory_space<semaphore_mem>>) {add = true}
      } else {
      }
      %scan3A_212 = arith.constant 0 : i32
      %scan3A_213 = arith.constant 0 : i32
      %scan3A_214 = arith.constant 125 : i32
      %scan3A_215 = arith.addi %scan3A_213, %scan3A_214 : i32
      %scan3A_216 = arith.constant 1 : i32
      %scan3A_217 = scf.for %scan3A_295 = %scan3A_213 to %scan3A_215 step %scan3A_216 iter_args(%scan3A_296 = %scan3A_212) -> (i32)  : i32 {
        %mul3A_297 = arith.constant 16 : i32
        %mul3A_298 = arith.muli %scan3A_295, %mul3A_297 : i32
        %get3A = arith.index_cast %mul3A_298 : i32 to index
        %get3A_299 = tpu.vector_load %arg10[%get3A] {strides = array<i32>} : memref<2000xi32, #tpu.memory_space<vmem>>, vector<16xi32>,
        %sub3A = vector.broadcast %mul3A_5 : i32 to vector<16xi32>
        %sub3A_300 = arith.subi %get3A_299, %sub3A : vector<16xi32>
        %ge3A = arith.constant 0 : i32
        %ge3A_301 = vector.broadcast %ge3A : i32 to vector<16xi32>
        %ge3A_302 = arith.cmpi sge, %sub3A_300, %ge3A_301 : vector<16xi32>
        %lt3A_303 = arith.constant 25024 : i32
        %lt3A_304 = vector.broadcast %lt3A_303 : i32 to vector<16xi32>
        %lt3A_305 = arith.cmpi slt, %sub3A_300, %lt3A_304 : vector<16xi32>
        %and3A = arith.andi %ge3A_302, %lt3A_305 : vector<16xi1>
        %jit3A = arith.constant 0 : i32
        %broadcast_in_dim3A = vector.broadcast %jit3A : i32 to vector<16xi32>
        %select_n3A = arith.select %and3A, %sub3A_300, %broadcast_in_dim3A : vector<16xi1>, vector<16xi32>
        %mul3A_306 = arith.constant 2000 : i32
        %mul3A_307 = arith.muli %div3A_6, %mul3A_306 : i32
        %mul3A_308 = arith.constant 16 : i32
        %mul3A_309 = arith.muli %scan3A_295, %mul3A_308 : i32
        %add3A_310 = arith.addi %mul3A_307, %mul3A_309 : i32
        %get3A_311 = arith.index_cast %add3A_310 : i32 to index
        %get3A_312 = tpu.vector_load %arg12[%get3A_311] {strides = array<i32>} : memref<8000xf32, #tpu.memory_space<vmem>>, vector<16xf32>,
        %add3A_313 = arith.constant 25024 : i32
        %add3A_314 = vector.broadcast %add3A_313 : i32 to vector<16xi32>
        %add3A_315 = arith.addi %add3A_314, %iota3A : vector<16xi32>
        %select_n3A_316 = arith.select %and3A, %select_n3A, %add3A_315 : vector<16xi1>, vector<16xi32>
        %gather3A = tpu.vector_load_idx %arg17[%select_n3A_316] : memref<25040xf32, #tpu.memory_space<vmem>>[vector<16xi32>], vector<16xf32>,
        %max3A = arith.maximumf %gather3A, %get3A_312 : vector<16xf32>
        tpu.vector_store_idx %arg17[%select_n3A_316], %max3A : memref<25040xf32, #tpu.memory_space<vmem>>[vector<16xi32>], vector<16xf32>,
        %gather3A_317 = tpu.vector_load_idx %arg17[%select_n3A_316] : memref<25040xf32, #tpu.memory_space<vmem>>[vector<16xi32>], vector<16xf32>,
        %lt3A_318 = arith.cmpf olt, %gather3A_317, %get3A_312 : vector<16xf32>
        %and3A_319 = arith.andi %and3A, %lt3A_318 : vector<16xi1>
        %while3A = scf.while (%while3A_321 = %and3A_319) : (vector<16xi1>) -> vector<16xi1> {
          %reduce_or3A = arith.constant 1.000000e+00 : f32
          %reduce_or3A_322 = arith.constant 0.000000e+00 : f32
          %reduce_or3A_323 = vector.broadcast %reduce_or3A : f32 to vector<16xf32>
          %reduce_or3A_324 = vector.broadcast %reduce_or3A_322 : f32 to vector<16xf32>
          %reduce_or3A_325 = arith.select %while3A_321, %reduce_or3A_323, %reduce_or3A_324 : vector<16xi1>, vector<16xf32>
          %reduce_or3A_326 = arith.constant true
          %reduce_or3A_327 = vector.broadcast %reduce_or3A_326 : i1 to vector<16xi1>
          %reduce_or3A_328 = tpu.scan <max>, %reduce_or3A_325 masked %reduce_or3A_327 : vector<16xf32>, vector<16xi1> -> vector<16xf32>
          %reduce_or3A_329 = vector.extract %reduce_or3A_328[15] : f32 from vector<16xf32>
          %reduce_or3A_330 = arith.constant 0.000000e+00 : f32
          %reduce_or3A_331 = arith.cmpf ogt, %reduce_or3A_329, %reduce_or3A_330 : f32
          scf.condition(%reduce_or3A_331) %while3A_321 : vector<16xi1>
        } do {
        ^bb0(%while3A_321: vector<16xi1>):
          %select_n3A_322 = arith.select %while3A_321, %select_n3A, %add3A_315 : vector<16xi1>, vector<16xi32>
          %gather3A_323 = tpu.vector_load_idx %arg17[%select_n3A_322] : memref<25040xf32, #tpu.memory_space<vmem>>[vector<16xi32>], vector<16xf32>,
          %max3A_324 = arith.maximumf %gather3A_323, %get3A_312 : vector<16xf32>
          tpu.vector_store_idx %arg17[%select_n3A_322], %max3A_324 : memref<25040xf32, #tpu.memory_space<vmem>>[vector<16xi32>], vector<16xf32>,
          %gather3A_325 = tpu.vector_load_idx %arg17[%select_n3A_322] : memref<25040xf32, #tpu.memory_space<vmem>>[vector<16xi32>], vector<16xf32>,
          %lt3A_326 = arith.cmpf olt, %gather3A_325, %get3A_312 : vector<16xf32>
          %and3A_327 = arith.andi %while3A_321, %lt3A_326 : vector<16xi1>
          scf.yield %and3A_327 : vector<16xi1>
        }
        %scan3A_320 = arith.constant 0 : i32
        scf.yield %scan3A_320 : i32
      }
      %scan3A_218 = arith.constant 125 : i32
      %convert_element_type3A_219 = arith.extui %eq3A : i1 to i32
      %cond3A_220 = arith.constant 0 : i32
      %cond3A_221 = arith.cmpi ne, %convert_element_type3A_219, %cond3A_220 : i32
      scf.if %cond3A_221 {
        %dma_wait3A_295 = arith.constant 0 : i32
        %dma_wait3A_296 = tpu.memref_slice %arg12[%dma_wait3A_295] : memref<8000xf32, #tpu.memory_space<vmem>> -> memref<2000xf32, #tpu.memory_space<vmem>>
        %dma_wait3A_297 = arith.constant 0 : i32
        %dma_wait3A_298 = tpu.memref_slice %arg18[%dma_wait3A_297] : memref<100096xf32, #tpu.memory_space<vmem_shared>> -> memref<100096xf32, #tpu.memory_space<vmem_shared>>
        tpu.wait_indirect_dma semaphore(%arg27 : memref<!tpu.dma_semaphore, #tpu.memory_space<semaphore_mem>>) src(%dma_wait3A_296 : memref<2000xf32, #tpu.memory_space<vmem>>) dst(%dma_wait3A_298 : memref<100096xf32, #tpu.memory_space<vmem_shared>>)
        %dma_wait3A_299 = arith.constant 2000 : i32
        %dma_wait3A_300 = tpu.memref_slice %arg12[%dma_wait3A_299] : memref<8000xf32, #tpu.memory_space<vmem>> -> memref<2000xf32, #tpu.memory_space<vmem>>
        %dma_wait3A_301 = arith.constant 0 : i32
        %dma_wait3A_302 = tpu.memref_slice %arg19[%dma_wait3A_301] : memref<100096xf32, #tpu.memory_space<vmem_shared>> -> memref<100096xf32, #tpu.memory_space<vmem_shared>>
        tpu.wait_indirect_dma semaphore(%arg27 : memref<!tpu.dma_semaphore, #tpu.memory_space<semaphore_mem>>) src(%dma_wait3A_300 : memref<2000xf32, #tpu.memory_space<vmem>>) dst(%dma_wait3A_302 : memref<100096xf32, #tpu.memory_space<vmem_shared>>)
        %dma_wait3A_303 = arith.constant 4000 : i32
        %dma_wait3A_304 = tpu.memref_slice %arg12[%dma_wait3A_303] : memref<8000xf32, #tpu.memory_space<vmem>> -> memref<2000xf32, #tpu.memory_space<vmem>>
        %dma_wait3A_305 = arith.constant 0 : i32
        %dma_wait3A_306 = tpu.memref_slice %arg20[%dma_wait3A_305] : memref<100096xf32, #tpu.memory_space<vmem_shared>> -> memref<100096xf32, #tpu.memory_space<vmem_shared>>
        tpu.wait_indirect_dma semaphore(%arg27 : memref<!tpu.dma_semaphore, #tpu.memory_space<semaphore_mem>>) src(%dma_wait3A_304 : memref<2000xf32, #tpu.memory_space<vmem>>) dst(%dma_wait3A_306 : memref<100096xf32, #tpu.memory_space<vmem_shared>>)
        %dma_wait3A_307 = arith.constant 6000 : i32
        %dma_wait3A_308 = tpu.memref_slice %arg12[%dma_wait3A_307] : memref<8000xf32, #tpu.memory_space<vmem>> -> memref<2000xf32, #tpu.memory_space<vmem>>
        %dma_wait3A_309 = arith.constant 0 : i32
        %dma_wait3A_310 = tpu.memref_slice %arg21[%dma_wait3A_309] : memref<100096xf32, #tpu.memory_space<vmem_shared>> -> memref<100096xf32, #tpu.memory_space<vmem_shared>>
        tpu.wait_indirect_dma semaphore(%arg27 : memref<!tpu.dma_semaphore, #tpu.memory_space<semaphore_mem>>) src(%dma_wait3A_308 : memref<2000xf32, #tpu.memory_space<vmem>>) dst(%dma_wait3A_310 : memref<100096xf32, #tpu.memory_space<vmem_shared>>)
        %dma_wait3A_311 = arith.constant 0 : i32
        %dma_wait3A_312 = tpu.memref_slice %arg22[%dma_wait3A_311] : memref<100096xf32, #tpu.memory_space<vmem_shared>> -> memref<100096xf32, #tpu.memory_space<vmem_shared>>
        tpu.wait_indirect_dma semaphore(%arg27 : memref<!tpu.dma_semaphore, #tpu.memory_space<semaphore_mem>>) src(%arg14 : memref<2000xf32, #tpu.memory_space<vmem>>) dst(%dma_wait3A_312 : memref<100096xf32, #tpu.memory_space<vmem_shared>>)
      } else {
      }
      %add3A_222 = arith.constant 2 : i32
      %add3A_223 = arith.addi %add3A_170, %add3A_222 : i32
      %lt3A = arith.constant 800 : i32
      %lt3A_224 = arith.cmpi slt, %add3A_223, %lt3A : i32
      %convert_element_type3A_225 = arith.extui %lt3A_224 : i1 to i32
      %cond3A_226 = arith.constant 0 : i32
      %cond3A_227 = arith.cmpi ne, %convert_element_type3A_225, %cond3A_226 : i32
      scf.if %cond3A_227 {
        %add3A_295 = arith.constant 2 : i32
        %add3A_296 = arith.addi %add3A_170, %add3A_295 : i32
        %mul3A_297 = arith.constant 2000 : i32
        %mul3A_298 = arith.muli %add3A_296, %mul3A_297 : i32
        %add3A_299 = arith.addi %mul3A_2, %mul3A_298 : i32
        %add3A_300 = arith.constant 3200000 : i32
        %add3A_301 = arith.addi %add3A_300, %add3A_299 : i32
        %dma_start3A_302 = tpu.memref_slice %arg2[%add3A_301] : memref<6400000xi32, #tpu.memory_space<hbm>> -> memref<2000xi32, #tpu.memory_space<hbm>>
        %dma_start3A_303 = tpu.memref_slice %arg2[%add3A_301] : memref<6400000xi32, #tpu.memory_space<hbm>> -> memref<2000xi32, #tpu.memory_space<hbm>>
        tpu.enqueue_dma source(%dma_start3A_303 : memref<2000xi32, #tpu.memory_space<hbm>>) target(%arg10 : memref<2000xi32, #tpu.memory_space<vmem>>) target_semaphore(%arg23 : memref<!tpu.dma_semaphore, #tpu.memory_space<semaphore_mem>>)
        %add3A_304 = arith.constant 0 : i32
        %add3A_305 = arith.addi %add3A_304, %add3A_299 : i32
        %dma_start3A_306 = arith.constant 0 : i32
        %dma_start3A_307 = tpu.memref_slice %arg12[%dma_start3A_306] : memref<8000xf32, #tpu.memory_space<vmem>> -> memref<2000xf32, #tpu.memory_space<vmem>>
        %dma_start3A_308 = tpu.memref_slice %arg3[%add3A_305] : memref<12800000xf32, #tpu.memory_space<hbm>> -> memref<2000xf32, #tpu.memory_space<hbm>>
        %dma_start3A_309 = arith.constant 0 : i32
        %dma_start3A_310 = tpu.memref_slice %arg12[%dma_start3A_309] : memref<8000xf32, #tpu.memory_space<vmem>> -> memref<2000xf32, #tpu.memory_space<vmem>>
        %dma_start3A_311 = tpu.memref_slice %arg3[%add3A_305] : memref<12800000xf32, #tpu.memory_space<hbm>> -> memref<2000xf32, #tpu.memory_space<hbm>>
        tpu.enqueue_dma source(%dma_start3A_311 : memref<2000xf32, #tpu.memory_space<hbm>>) target(%dma_start3A_310 : memref<2000xf32, #tpu.memory_space<vmem>>) target_semaphore(%arg25 : memref<!tpu.dma_semaphore, #tpu.memory_space<semaphore_mem>>)
        %add3A_312 = arith.constant 3200000 : i32
        %add3A_313 = arith.addi %add3A_312, %add3A_299 : i32
        %dma_start3A_314 = arith.constant 2000 : i32
        %dma_start3A_315 = tpu.memref_slice %arg12[%dma_start3A_314] : memref<8000xf32, #tpu.memory_space<vmem>> -> memref<2000xf32, #tpu.memory_space<vmem>>
        %dma_start3A_316 = tpu.memref_slice %arg3[%add3A_313] : memref<12800000xf32, #tpu.memory_space<hbm>> -> memref<2000xf32, #tpu.memory_space<hbm>>
        %dma_start3A_317 = arith.constant 2000 : i32
        %dma_start3A_318 = tpu.memref_slice %arg12[%dma_start3A_317] : memref<8000xf32, #tpu.memory_space<vmem>> -> memref<2000xf32, #tpu.memory_space<vmem>>
        %dma_start3A_319 = tpu.memref_slice %arg3[%add3A_313] : memref<12800000xf32, #tpu.memory_space<hbm>> -> memref<2000xf32, #tpu.memory_space<hbm>>
        tpu.enqueue_dma source(%dma_start3A_319 : memref<2000xf32, #tpu.memory_space<hbm>>) target(%dma_start3A_318 : memref<2000xf32, #tpu.memory_space<vmem>>) target_semaphore(%arg25 : memref<!tpu.dma_semaphore, #tpu.memory_space<semaphore_mem>>)
        %add3A_320 = arith.constant 6400000 : i32
        %add3A_321 = arith.addi %add3A_320, %add3A_299 : i32
        %dma_start3A_322 = arith.constant 4000 : i32
        %dma_start3A_323 = tpu.memref_slice %arg12[%dma_start3A_322] : memref<8000xf32, #tpu.memory_space<vmem>> -> memref<2000xf32, #tpu.memory_space<vmem>>
        %dma_start3A_324 = tpu.memref_slice %arg3[%add3A_321] : memref<12800000xf32, #tpu.memory_space<hbm>> -> memref<2000xf32, #tpu.memory_space<hbm>>
        %dma_start3A_325 = arith.constant 4000 : i32
        %dma_start3A_326 = tpu.memref_slice %arg12[%dma_start3A_325] : memref<8000xf32, #tpu.memory_space<vmem>> -> memref<2000xf32, #tpu.memory_space<vmem>>
        %dma_start3A_327 = tpu.memref_slice %arg3[%add3A_321] : memref<12800000xf32, #tpu.memory_space<hbm>> -> memref<2000xf32, #tpu.memory_space<hbm>>
        tpu.enqueue_dma source(%dma_start3A_327 : memref<2000xf32, #tpu.memory_space<hbm>>) target(%dma_start3A_326 : memref<2000xf32, #tpu.memory_space<vmem>>) target_semaphore(%arg25 : memref<!tpu.dma_semaphore, #tpu.memory_space<semaphore_mem>>)
        %add3A_328 = arith.constant 9600000 : i32
        %add3A_329 = arith.addi %add3A_328, %add3A_299 : i32
        %dma_start3A_330 = arith.constant 6000 : i32
        %dma_start3A_331 = tpu.memref_slice %arg12[%dma_start3A_330] : memref<8000xf32, #tpu.memory_space<vmem>> -> memref<2000xf32, #tpu.memory_space<vmem>>
        %dma_start3A_332 = tpu.memref_slice %arg3[%add3A_329] : memref<12800000xf32, #tpu.memory_space<hbm>> -> memref<2000xf32, #tpu.memory_space<hbm>>
        %dma_start3A_333 = arith.constant 6000 : i32
        %dma_start3A_334 = tpu.memref_slice %arg12[%dma_start3A_333] : memref<8000xf32, #tpu.memory_space<vmem>> -> memref<2000xf32, #tpu.memory_space<vmem>>
        %dma_start3A_335 = tpu.memref_slice %arg3[%add3A_329] : memref<12800000xf32, #tpu.memory_space<hbm>> -> memref<2000xf32, #tpu.memory_space<hbm>>
        tpu.enqueue_dma source(%dma_start3A_335 : memref<2000xf32, #tpu.memory_space<hbm>>) target(%dma_start3A_334 : memref<2000xf32, #tpu.memory_space<vmem>>) target_semaphore(%arg25 : memref<!tpu.dma_semaphore, #tpu.memory_space<semaphore_mem>>)
      } else {
      }
      %mul3A_228 = arith.constant 2 : i32
      %mul3A_229 = arith.muli %mul3A_228, %scan3A_165 : i32
      %add3A_230 = arith.constant 1 : i32
      %add3A_231 = arith.addi %mul3A_229, %add3A_230 : i32
      %mul3A_232 = arith.constant 2000 : i32
      %mul3A_233 = arith.muli %add3A_231, %mul3A_232 : i32
      %add3A_234 = arith.addi %mul3A_2, %mul3A_233 : i32
      %add3A_235 = arith.constant 3200000 : i32
      %add3A_236 = arith.addi %add3A_235, %add3A_234 : i32
      %dma_wait3A_237 = tpu.memref_slice %arg2[%add3A_236] : memref<6400000xi32, #tpu.memory_space<hbm>> -> memref<2000xi32, #tpu.memory_space<hbm>>
      %dma_wait3A_238 = tpu.memref_slice %arg2[%add3A_236] : memref<6400000xi32, #tpu.memory_space<hbm>> -> memref<2000xi32, #tpu.memory_space<hbm>>
      tpu.wait_dma2 semaphore(%arg24 : memref<!tpu.dma_semaphore, #tpu.memory_space<semaphore_mem>>) src(%dma_wait3A_238 : memref<2000xi32, #tpu.memory_space<hbm>>) dst(%arg11 : memref<2000xi32, #tpu.memory_space<vmem>>)
      %add3A_239 = arith.constant 0 : i32
      %add3A_240 = arith.addi %add3A_239, %add3A_234 : i32
      %dma_wait3A_241 = arith.constant 0 : i32
      %dma_wait3A_242 = tpu.memref_slice %arg13[%dma_wait3A_241] : memref<8000xf32, #tpu.memory_space<vmem>> -> memref<2000xf32, #tpu.memory_space<vmem>>
      %dma_wait3A_243 = tpu.memref_slice %arg3[%add3A_240] : memref<12800000xf32, #tpu.memory_space<hbm>> -> memref<2000xf32, #tpu.memory_space<hbm>>
      %dma_wait3A_244 = arith.constant 0 : i32
      %dma_wait3A_245 = tpu.memref_slice %arg13[%dma_wait3A_244] : memref<8000xf32, #tpu.memory_space<vmem>> -> memref<2000xf32, #tpu.memory_space<vmem>>
      %dma_wait3A_246 = tpu.memref_slice %arg3[%add3A_240] : memref<12800000xf32, #tpu.memory_space<hbm>> -> memref<2000xf32, #tpu.memory_space<hbm>>
      tpu.wait_dma2 semaphore(%arg26 : memref<!tpu.dma_semaphore, #tpu.memory_space<semaphore_mem>>) src(%dma_wait3A_246 : memref<2000xf32, #tpu.memory_space<hbm>>) dst(%dma_wait3A_245 : memref<2000xf32, #tpu.memory_space<vmem>>)
      %add3A_247 = arith.constant 3200000 : i32
      %add3A_248 = arith.addi %add3A_247, %add3A_234 : i32
      %dma_wait3A_249 = arith.constant 2000 : i32
      %dma_wait3A_250 = tpu.memref_slice %arg13[%dma_wait3A_249] : memref<8000xf32, #tpu.memory_space<vmem>> -> memref<2000xf32, #tpu.memory_space<vmem>>
      %dma_wait3A_251 = tpu.memref_slice %arg3[%add3A_248] : memref<12800000xf32, #tpu.memory_space<hbm>> -> memref<2000xf32, #tpu.memory_space<hbm>>
      %dma_wait3A_252 = arith.constant 2000 : i32
      %dma_wait3A_253 = tpu.memref_slice %arg13[%dma_wait3A_252] : memref<8000xf32, #tpu.memory_space<vmem>> -> memref<2000xf32, #tpu.memory_space<vmem>>
      %dma_wait3A_254 = tpu.memref_slice %arg3[%add3A_248] : memref<12800000xf32, #tpu.memory_space<hbm>> -> memref<2000xf32, #tpu.memory_space<hbm>>
      tpu.wait_dma2 semaphore(%arg26 : memref<!tpu.dma_semaphore, #tpu.memory_space<semaphore_mem>>) src(%dma_wait3A_254 : memref<2000xf32, #tpu.memory_space<hbm>>) dst(%dma_wait3A_253 : memref<2000xf32, #tpu.memory_space<vmem>>)
      %add3A_255 = arith.constant 6400000 : i32
      %add3A_256 = arith.addi %add3A_255, %add3A_234 : i32
      %dma_wait3A_257 = arith.constant 4000 : i32
      %dma_wait3A_258 = tpu.memref_slice %arg13[%dma_wait3A_257] : memref<8000xf32, #tpu.memory_space<vmem>> -> memref<2000xf32, #tpu.memory_space<vmem>>
      %dma_wait3A_259 = tpu.memref_slice %arg3[%add3A_256] : memref<12800000xf32, #tpu.memory_space<hbm>> -> memref<2000xf32, #tpu.memory_space<hbm>>
      %dma_wait3A_260 = arith.constant 4000 : i32
      %dma_wait3A_261 = tpu.memref_slice %arg13[%dma_wait3A_260] : memref<8000xf32, #tpu.memory_space<vmem>> -> memref<2000xf32, #tpu.memory_space<vmem>>
      %dma_wait3A_262 = tpu.memref_slice %arg3[%add3A_256] : memref<12800000xf32, #tpu.memory_space<hbm>> -> memref<2000xf32, #tpu.memory_space<hbm>>
      tpu.wait_dma2 semaphore(%arg26 : memref<!tpu.dma_semaphore, #tpu.memory_space<semaphore_mem>>) src(%dma_wait3A_262 : memref<2000xf32, #tpu.memory_space<hbm>>) dst(%dma_wait3A_261 : memref<2000xf32, #tpu.memory_space<vmem>>)
      %add3A_263 = arith.constant 9600000 : i32
      %add3A_264 = arith.addi %add3A_263, %add3A_234 : i32
      %dma_wait3A_265 = arith.constant 6000 : i32
      %dma_wait3A_266 = tpu.memref_slice %arg13[%dma_wait3A_265] : memref<8000xf32, #tpu.memory_space<vmem>> -> memref<2000xf32, #tpu.memory_space<vmem>>
      %dma_wait3A_267 = tpu.memref_slice %arg3[%add3A_264] : memref<12800000xf32, #tpu.memory_space<hbm>> -> memref<2000xf32, #tpu.memory_space<hbm>>
      %dma_wait3A_268 = arith.constant 6000 : i32
      %dma_wait3A_269 = tpu.memref_slice %arg13[%dma_wait3A_268] : memref<8000xf32, #tpu.memory_space<vmem>> -> memref<2000xf32, #tpu.memory_space<vmem>>
      %dma_wait3A_270 = tpu.memref_slice %arg3[%add3A_264] : memref<12800000xf32, #tpu.memory_space<hbm>> -> memref<2000xf32, #tpu.memory_space<hbm>>
      tpu.wait_dma2 semaphore(%arg26 : memref<!tpu.dma_semaphore, #tpu.memory_space<semaphore_mem>>) src(%dma_wait3A_270 : memref<2000xf32, #tpu.memory_space<hbm>>) dst(%dma_wait3A_269 : memref<2000xf32, #tpu.memory_space<vmem>>)
      %rem3A_271 = arith.constant 16 : i32
      %rem3A_272 = arith.remsi %add3A_231, %rem3A_271 : i32
      %eq3A_273 = arith.cmpi eq, %rem3A_272, %arg1 : i32
      %convert_element_type3A_274 = arith.extui %eq3A_273 : i1 to i32
      %cond3A_275 = arith.constant 0 : i32
      %cond3A_276 = arith.cmpi ne, %convert_element_type3A_274, %cond3A_275 : i32
      scf.if %cond3A_276 {
        %dma_start3A_295 = arith.constant 0 : i32
        %dma_start3A_296 = tpu.memref_slice %arg13[%dma_start3A_295] : memref<8000xf32, #tpu.memory_space<vmem>> -> memref<2000xf32, #tpu.memory_space<vmem>>
        %dma_start3A_297 = arith.constant 0 : i32
        %dma_start3A_298 = tpu.memref_slice %arg18[%dma_start3A_297] : memref<100096xf32, #tpu.memory_space<vmem_shared>> -> memref<100096xf32, #tpu.memory_space<vmem_shared>>
        tpu.enqueue_indirect_dma source(%dma_start3A_296 : memref<2000xf32, #tpu.memory_space<vmem>>) target(%dma_start3A_298 : memref<100096xf32, #tpu.memory_space<vmem_shared>>) offsets(%arg11 : memref<2000xi32, #tpu.memory_space<vmem>>) semaphore(%arg27 : memref<!tpu.dma_semaphore, #tpu.memory_space<semaphore_mem>>) {add = true}
        %dma_start3A_299 = arith.constant 2000 : i32
        %dma_start3A_300 = tpu.memref_slice %arg13[%dma_start3A_299] : memref<8000xf32, #tpu.memory_space<vmem>> -> memref<2000xf32, #tpu.memory_space<vmem>>
        %dma_start3A_301 = arith.constant 0 : i32
        %dma_start3A_302 = tpu.memref_slice %arg19[%dma_start3A_301] : memref<100096xf32, #tpu.memory_space<vmem_shared>> -> memref<100096xf32, #tpu.memory_space<vmem_shared>>
        tpu.enqueue_indirect_dma source(%dma_start3A_300 : memref<2000xf32, #tpu.memory_space<vmem>>) target(%dma_start3A_302 : memref<100096xf32, #tpu.memory_space<vmem_shared>>) offsets(%arg11 : memref<2000xi32, #tpu.memory_space<vmem>>) semaphore(%arg27 : memref<!tpu.dma_semaphore, #tpu.memory_space<semaphore_mem>>) {add = true}
        %dma_start3A_303 = arith.constant 4000 : i32
        %dma_start3A_304 = tpu.memref_slice %arg13[%dma_start3A_303] : memref<8000xf32, #tpu.memory_space<vmem>> -> memref<2000xf32, #tpu.memory_space<vmem>>
        %dma_start3A_305 = arith.constant 0 : i32
        %dma_start3A_306 = tpu.memref_slice %arg20[%dma_start3A_305] : memref<100096xf32, #tpu.memory_space<vmem_shared>> -> memref<100096xf32, #tpu.memory_space<vmem_shared>>
        tpu.enqueue_indirect_dma source(%dma_start3A_304 : memref<2000xf32, #tpu.memory_space<vmem>>) target(%dma_start3A_306 : memref<100096xf32, #tpu.memory_space<vmem_shared>>) offsets(%arg11 : memref<2000xi32, #tpu.memory_space<vmem>>) semaphore(%arg27 : memref<!tpu.dma_semaphore, #tpu.memory_space<semaphore_mem>>) {add = true}
        %dma_start3A_307 = arith.constant 6000 : i32
        %dma_start3A_308 = tpu.memref_slice %arg13[%dma_start3A_307] : memref<8000xf32, #tpu.memory_space<vmem>> -> memref<2000xf32, #tpu.memory_space<vmem>>
        %dma_start3A_309 = arith.constant 0 : i32
        %dma_start3A_310 = tpu.memref_slice %arg21[%dma_start3A_309] : memref<100096xf32, #tpu.memory_space<vmem_shared>> -> memref<100096xf32, #tpu.memory_space<vmem_shared>>
        tpu.enqueue_indirect_dma source(%dma_start3A_308 : memref<2000xf32, #tpu.memory_space<vmem>>) target(%dma_start3A_310 : memref<100096xf32, #tpu.memory_space<vmem_shared>>) offsets(%arg11 : memref<2000xi32, #tpu.memory_space<vmem>>) semaphore(%arg27 : memref<!tpu.dma_semaphore, #tpu.memory_space<semaphore_mem>>) {add = true}
        %dma_start3A_311 = arith.constant 0 : i32
        %dma_start3A_312 = tpu.memref_slice %arg22[%dma_start3A_311] : memref<100096xf32, #tpu.memory_space<vmem_shared>> -> memref<100096xf32, #tpu.memory_space<vmem_shared>>
        tpu.enqueue_indirect_dma source(%arg14 : memref<2000xf32, #tpu.memory_space<vmem>>) target(%dma_start3A_312 : memref<100096xf32, #tpu.memory_space<vmem_shared>>) offsets(%arg11 : memref<2000xi32, #tpu.memory_space<vmem>>) semaphore(%arg27 : memref<!tpu.dma_semaphore, #tpu.memory_space<semaphore_mem>>) {add = true}
      } else {
      }
      %scan3A_277 = arith.constant 0 : i32
      %scan3A_278 = arith.constant 0 : i32
      %scan3A_279 = arith.constant 125 : i32
      %scan3A_280 = arith.addi %scan3A_278, %scan3A_279 : i32
      %scan3A_281 = arith.constant 1 : i32
      %scan3A_282 = scf.for %scan3A_295 = %scan3A_278 to %scan3A_280 step %scan3A_281 iter_args(%scan3A_296 = %scan3A_277) -> (i32)  : i32 {
        %mul3A_297 = arith.constant 16 : i32
        %mul3A_298 = arith.muli %scan3A_295, %mul3A_297 : i32
        %get3A = arith.index_cast %mul3A_298 : i32 to index
        %get3A_299 = tpu.vector_load %arg11[%get3A] {strides = array<i32>} : memref<2000xi32, #tpu.memory_space<vmem>>, vector<16xi32>,
        %sub3A = vector.broadcast %mul3A_5 : i32 to vector<16xi32>
        %sub3A_300 = arith.subi %get3A_299, %sub3A : vector<16xi32>
        %ge3A = arith.constant 0 : i32
        %ge3A_301 = vector.broadcast %ge3A : i32 to vector<16xi32>
        %ge3A_302 = arith.cmpi sge, %sub3A_300, %ge3A_301 : vector<16xi32>
        %lt3A_303 = arith.constant 25024 : i32
        %lt3A_304 = vector.broadcast %lt3A_303 : i32 to vector<16xi32>
        %lt3A_305 = arith.cmpi slt, %sub3A_300, %lt3A_304 : vector<16xi32>
        %and3A = arith.andi %ge3A_302, %lt3A_305 : vector<16xi1>
        %jit3A = arith.constant 0 : i32
        %broadcast_in_dim3A = vector.broadcast %jit3A : i32 to vector<16xi32>
        %select_n3A = arith.select %and3A, %sub3A_300, %broadcast_in_dim3A : vector<16xi1>, vector<16xi32>
        %mul3A_306 = arith.constant 2000 : i32
        %mul3A_307 = arith.muli %div3A_6, %mul3A_306 : i32
        %mul3A_308 = arith.constant 16 : i32
        %mul3A_309 = arith.muli %scan3A_295, %mul3A_308 : i32
        %add3A_310 = arith.addi %mul3A_307, %mul3A_309 : i32
        %get3A_311 = arith.index_cast %add3A_310 : i32 to index
        %get3A_312 = tpu.vector_load %arg13[%get3A_311] {strides = array<i32>} : memref<8000xf32, #tpu.memory_space<vmem>>, vector<16xf32>,
        %add3A_313 = arith.constant 25024 : i32
        %add3A_314 = vector.broadcast %add3A_313 : i32 to vector<16xi32>
        %add3A_315 = arith.addi %add3A_314, %iota3A : vector<16xi32>
        %select_n3A_316 = arith.select %and3A, %select_n3A, %add3A_315 : vector<16xi1>, vector<16xi32>
        %gather3A = tpu.vector_load_idx %arg17[%select_n3A_316] : memref<25040xf32, #tpu.memory_space<vmem>>[vector<16xi32>], vector<16xf32>,
        %max3A = arith.maximumf %gather3A, %get3A_312 : vector<16xf32>
        tpu.vector_store_idx %arg17[%select_n3A_316], %max3A : memref<25040xf32, #tpu.memory_space<vmem>>[vector<16xi32>], vector<16xf32>,
        %gather3A_317 = tpu.vector_load_idx %arg17[%select_n3A_316] : memref<25040xf32, #tpu.memory_space<vmem>>[vector<16xi32>], vector<16xf32>,
        %lt3A_318 = arith.cmpf olt, %gather3A_317, %get3A_312 : vector<16xf32>
        %and3A_319 = arith.andi %and3A, %lt3A_318 : vector<16xi1>
        %while3A = scf.while (%while3A_321 = %and3A_319) : (vector<16xi1>) -> vector<16xi1> {
          %reduce_or3A = arith.constant 1.000000e+00 : f32
          %reduce_or3A_322 = arith.constant 0.000000e+00 : f32
          %reduce_or3A_323 = vector.broadcast %reduce_or3A : f32 to vector<16xf32>
          %reduce_or3A_324 = vector.broadcast %reduce_or3A_322 : f32 to vector<16xf32>
          %reduce_or3A_325 = arith.select %while3A_321, %reduce_or3A_323, %reduce_or3A_324 : vector<16xi1>, vector<16xf32>
          %reduce_or3A_326 = arith.constant true
          %reduce_or3A_327 = vector.broadcast %reduce_or3A_326 : i1 to vector<16xi1>
          %reduce_or3A_328 = tpu.scan <max>, %reduce_or3A_325 masked %reduce_or3A_327 : vector<16xf32>, vector<16xi1> -> vector<16xf32>
          %reduce_or3A_329 = vector.extract %reduce_or3A_328[15] : f32 from vector<16xf32>
          %reduce_or3A_330 = arith.constant 0.000000e+00 : f32
          %reduce_or3A_331 = arith.cmpf ogt, %reduce_or3A_329, %reduce_or3A_330 : f32
          scf.condition(%reduce_or3A_331) %while3A_321 : vector<16xi1>
        } do {
        ^bb0(%while3A_321: vector<16xi1>):
          %select_n3A_322 = arith.select %while3A_321, %select_n3A, %add3A_315 : vector<16xi1>, vector<16xi32>
          %gather3A_323 = tpu.vector_load_idx %arg17[%select_n3A_322] : memref<25040xf32, #tpu.memory_space<vmem>>[vector<16xi32>], vector<16xf32>,
          %max3A_324 = arith.maximumf %gather3A_323, %get3A_312 : vector<16xf32>
          tpu.vector_store_idx %arg17[%select_n3A_322], %max3A_324 : memref<25040xf32, #tpu.memory_space<vmem>>[vector<16xi32>], vector<16xf32>,
          %gather3A_325 = tpu.vector_load_idx %arg17[%select_n3A_322] : memref<25040xf32, #tpu.memory_space<vmem>>[vector<16xi32>], vector<16xf32>,
          %lt3A_326 = arith.cmpf olt, %gather3A_325, %get3A_312 : vector<16xf32>
          %and3A_327 = arith.andi %while3A_321, %lt3A_326 : vector<16xi1>
          scf.yield %and3A_327 : vector<16xi1>
        }
        %scan3A_320 = arith.constant 0 : i32
        scf.yield %scan3A_320 : i32
      }
      %scan3A_283 = arith.constant 125 : i32
      %convert_element_type3A_284 = arith.extui %eq3A_273 : i1 to i32
      %cond3A_285 = arith.constant 0 : i32
      %cond3A_286 = arith.cmpi ne, %convert_element_type3A_284, %cond3A_285 : i32
      scf.if %cond3A_286 {
        %dma_wait3A_295 = arith.constant 0 : i32
        %dma_wait3A_296 = tpu.memref_slice %arg13[%dma_wait3A_295] : memref<8000xf32, #tpu.memory_space<vmem>> -> memref<2000xf32, #tpu.memory_space<vmem>>
        %dma_wait3A_297 = arith.constant 0 : i32
        %dma_wait3A_298 = tpu.memref_slice %arg18[%dma_wait3A_297] : memref<100096xf32, #tpu.memory_space<vmem_shared>> -> memref<100096xf32, #tpu.memory_space<vmem_shared>>
        tpu.wait_indirect_dma semaphore(%arg27 : memref<!tpu.dma_semaphore, #tpu.memory_space<semaphore_mem>>) src(%dma_wait3A_296 : memref<2000xf32, #tpu.memory_space<vmem>>) dst(%dma_wait3A_298 : memref<100096xf32, #tpu.memory_space<vmem_shared>>)
        %dma_wait3A_299 = arith.constant 2000 : i32
        %dma_wait3A_300 = tpu.memref_slice %arg13[%dma_wait3A_299] : memref<8000xf32, #tpu.memory_space<vmem>> -> memref<2000xf32, #tpu.memory_space<vmem>>
        %dma_wait3A_301 = arith.constant 0 : i32
        %dma_wait3A_302 = tpu.memref_slice %arg19[%dma_wait3A_301] : memref<100096xf32, #tpu.memory_space<vmem_shared>> -> memref<100096xf32, #tpu.memory_space<vmem_shared>>
        tpu.wait_indirect_dma semaphore(%arg27 : memref<!tpu.dma_semaphore, #tpu.memory_space<semaphore_mem>>) src(%dma_wait3A_300 : memref<2000xf32, #tpu.memory_space<vmem>>) dst(%dma_wait3A_302 : memref<100096xf32, #tpu.memory_space<vmem_shared>>)
        %dma_wait3A_303 = arith.constant 4000 : i32
        %dma_wait3A_304 = tpu.memref_slice %arg13[%dma_wait3A_303] : memref<8000xf32, #tpu.memory_space<vmem>> -> memref<2000xf32, #tpu.memory_space<vmem>>
        %dma_wait3A_305 = arith.constant 0 : i32
        %dma_wait3A_306 = tpu.memref_slice %arg20[%dma_wait3A_305] : memref<100096xf32, #tpu.memory_space<vmem_shared>> -> memref<100096xf32, #tpu.memory_space<vmem_shared>>
        tpu.wait_indirect_dma semaphore(%arg27 : memref<!tpu.dma_semaphore, #tpu.memory_space<semaphore_mem>>) src(%dma_wait3A_304 : memref<2000xf32, #tpu.memory_space<vmem>>) dst(%dma_wait3A_306 : memref<100096xf32, #tpu.memory_space<vmem_shared>>)
        %dma_wait3A_307 = arith.constant 6000 : i32
        %dma_wait3A_308 = tpu.memref_slice %arg13[%dma_wait3A_307] : memref<8000xf32, #tpu.memory_space<vmem>> -> memref<2000xf32, #tpu.memory_space<vmem>>
        %dma_wait3A_309 = arith.constant 0 : i32
        %dma_wait3A_310 = tpu.memref_slice %arg21[%dma_wait3A_309] : memref<100096xf32, #tpu.memory_space<vmem_shared>> -> memref<100096xf32, #tpu.memory_space<vmem_shared>>
        tpu.wait_indirect_dma semaphore(%arg27 : memref<!tpu.dma_semaphore, #tpu.memory_space<semaphore_mem>>) src(%dma_wait3A_308 : memref<2000xf32, #tpu.memory_space<vmem>>) dst(%dma_wait3A_310 : memref<100096xf32, #tpu.memory_space<vmem_shared>>)
        %dma_wait3A_311 = arith.constant 0 : i32
        %dma_wait3A_312 = tpu.memref_slice %arg22[%dma_wait3A_311] : memref<100096xf32, #tpu.memory_space<vmem_shared>> -> memref<100096xf32, #tpu.memory_space<vmem_shared>>
        tpu.wait_indirect_dma semaphore(%arg27 : memref<!tpu.dma_semaphore, #tpu.memory_space<semaphore_mem>>) src(%arg14 : memref<2000xf32, #tpu.memory_space<vmem>>) dst(%dma_wait3A_312 : memref<100096xf32, #tpu.memory_space<vmem_shared>>)
      } else {
      }
      %add3A_287 = arith.constant 2 : i32
      %add3A_288 = arith.addi %add3A_231, %add3A_287 : i32
      %lt3A_289 = arith.constant 800 : i32
      %lt3A_290 = arith.cmpi slt, %add3A_288, %lt3A_289 : i32
      %convert_element_type3A_291 = arith.extui %lt3A_290 : i1 to i32
      %cond3A_292 = arith.constant 0 : i32
      %cond3A_293 = arith.cmpi ne, %convert_element_type3A_291, %cond3A_292 : i32
      scf.if %cond3A_293 {
        %add3A_295 = arith.constant 2 : i32
        %add3A_296 = arith.addi %add3A_231, %add3A_295 : i32
        %mul3A_297 = arith.constant 2000 : i32
        %mul3A_298 = arith.muli %add3A_296, %mul3A_297 : i32
        %add3A_299 = arith.addi %mul3A_2, %mul3A_298 : i32
        %add3A_300 = arith.constant 3200000 : i32
        %add3A_301 = arith.addi %add3A_300, %add3A_299 : i32
        %dma_start3A_302 = tpu.memref_slice %arg2[%add3A_301] : memref<6400000xi32, #tpu.memory_space<hbm>> -> memref<2000xi32, #tpu.memory_space<hbm>>
        %dma_start3A_303 = tpu.memref_slice %arg2[%add3A_301] : memref<6400000xi32, #tpu.memory_space<hbm>> -> memref<2000xi32, #tpu.memory_space<hbm>>
        tpu.enqueue_dma source(%dma_start3A_303 : memref<2000xi32, #tpu.memory_space<hbm>>) target(%arg11 : memref<2000xi32, #tpu.memory_space<vmem>>) target_semaphore(%arg24 : memref<!tpu.dma_semaphore, #tpu.memory_space<semaphore_mem>>)
        %add3A_304 = arith.constant 0 : i32
        %add3A_305 = arith.addi %add3A_304, %add3A_299 : i32
        %dma_start3A_306 = arith.constant 0 : i32
        %dma_start3A_307 = tpu.memref_slice %arg13[%dma_start3A_306] : memref<8000xf32, #tpu.memory_space<vmem>> -> memref<2000xf32, #tpu.memory_space<vmem>>
        %dma_start3A_308 = tpu.memref_slice %arg3[%add3A_305] : memref<12800000xf32, #tpu.memory_space<hbm>> -> memref<2000xf32, #tpu.memory_space<hbm>>
        %dma_start3A_309 = arith.constant 0 : i32
        %dma_start3A_310 = tpu.memref_slice %arg13[%dma_start3A_309] : memref<8000xf32, #tpu.memory_space<vmem>> -> memref<2000xf32, #tpu.memory_space<vmem>>
        %dma_start3A_311 = tpu.memref_slice %arg3[%add3A_305] : memref<12800000xf32, #tpu.memory_space<hbm>> -> memref<2000xf32, #tpu.memory_space<hbm>>
        tpu.enqueue_dma source(%dma_start3A_311 : memref<2000xf32, #tpu.memory_space<hbm>>) target(%dma_start3A_310 : memref<2000xf32, #tpu.memory_space<vmem>>) target_semaphore(%arg26 : memref<!tpu.dma_semaphore, #tpu.memory_space<semaphore_mem>>)
        %add3A_312 = arith.constant 3200000 : i32
        %add3A_313 = arith.addi %add3A_312, %add3A_299 : i32
        %dma_start3A_314 = arith.constant 2000 : i32
        %dma_start3A_315 = tpu.memref_slice %arg13[%dma_start3A_314] : memref<8000xf32, #tpu.memory_space<vmem>> -> memref<2000xf32, #tpu.memory_space<vmem>>
        %dma_start3A_316 = tpu.memref_slice %arg3[%add3A_313] : memref<12800000xf32, #tpu.memory_space<hbm>> -> memref<2000xf32, #tpu.memory_space<hbm>>
        %dma_start3A_317 = arith.constant 2000 : i32
        %dma_start3A_318 = tpu.memref_slice %arg13[%dma_start3A_317] : memref<8000xf32, #tpu.memory_space<vmem>> -> memref<2000xf32, #tpu.memory_space<vmem>>
        %dma_start3A_319 = tpu.memref_slice %arg3[%add3A_313] : memref<12800000xf32, #tpu.memory_space<hbm>> -> memref<2000xf32, #tpu.memory_space<hbm>>
        tpu.enqueue_dma source(%dma_start3A_319 : memref<2000xf32, #tpu.memory_space<hbm>>) target(%dma_start3A_318 : memref<2000xf32, #tpu.memory_space<vmem>>) target_semaphore(%arg26 : memref<!tpu.dma_semaphore, #tpu.memory_space<semaphore_mem>>)
        %add3A_320 = arith.constant 6400000 : i32
        %add3A_321 = arith.addi %add3A_320, %add3A_299 : i32
        %dma_start3A_322 = arith.constant 4000 : i32
        %dma_start3A_323 = tpu.memref_slice %arg13[%dma_start3A_322] : memref<8000xf32, #tpu.memory_space<vmem>> -> memref<2000xf32, #tpu.memory_space<vmem>>
        %dma_start3A_324 = tpu.memref_slice %arg3[%add3A_321] : memref<12800000xf32, #tpu.memory_space<hbm>> -> memref<2000xf32, #tpu.memory_space<hbm>>
        %dma_start3A_325 = arith.constant 4000 : i32
        %dma_start3A_326 = tpu.memref_slice %arg13[%dma_start3A_325] : memref<8000xf32, #tpu.memory_space<vmem>> -> memref<2000xf32, #tpu.memory_space<vmem>>
        %dma_start3A_327 = tpu.memref_slice %arg3[%add3A_321] : memref<12800000xf32, #tpu.memory_space<hbm>> -> memref<2000xf32, #tpu.memory_space<hbm>>
        tpu.enqueue_dma source(%dma_start3A_327 : memref<2000xf32, #tpu.memory_space<hbm>>) target(%dma_start3A_326 : memref<2000xf32, #tpu.memory_space<vmem>>) target_semaphore(%arg26 : memref<!tpu.dma_semaphore, #tpu.memory_space<semaphore_mem>>)
        %add3A_328 = arith.constant 9600000 : i32
        %add3A_329 = arith.addi %add3A_328, %add3A_299 : i32
        %dma_start3A_330 = arith.constant 6000 : i32
        %dma_start3A_331 = tpu.memref_slice %arg13[%dma_start3A_330] : memref<8000xf32, #tpu.memory_space<vmem>> -> memref<2000xf32, #tpu.memory_space<vmem>>
        %dma_start3A_332 = tpu.memref_slice %arg3[%add3A_329] : memref<12800000xf32, #tpu.memory_space<hbm>> -> memref<2000xf32, #tpu.memory_space<hbm>>
        %dma_start3A_333 = arith.constant 6000 : i32
        %dma_start3A_334 = tpu.memref_slice %arg13[%dma_start3A_333] : memref<8000xf32, #tpu.memory_space<vmem>> -> memref<2000xf32, #tpu.memory_space<vmem>>
        %dma_start3A_335 = tpu.memref_slice %arg3[%add3A_329] : memref<12800000xf32, #tpu.memory_space<hbm>> -> memref<2000xf32, #tpu.memory_space<hbm>>
        tpu.enqueue_dma source(%dma_start3A_335 : memref<2000xf32, #tpu.memory_space<hbm>>) target(%dma_start3A_334 : memref<2000xf32, #tpu.memory_space<vmem>>) target_semaphore(%arg26 : memref<!tpu.dma_semaphore, #tpu.memory_space<semaphore_mem>>)
      } else {
      }
      %scan3A_294 = arith.constant 0 : i32
      scf.yield %scan3A_294 : i32
    }
    %scan3A_126 = arith.constant 400 : i32
    %barrier3A_127 = arith.constant 0 : index
    tpu.barrier barrier_id(%barrier3A_127)
    "tpu.region"() ({
      %run_scoped3A = tpu.sem_alloc : memref<!tpu.dma_semaphore, #tpu.memory_space<semaphore_mem>>
      %dma_start3A_165 = tpu.memref_slice %arg18[%mul3A_0] : memref<100096xf32, #tpu.memory_space<vmem_shared>> -> memref<6256xf32, #tpu.memory_space<vmem_shared>>
      %dma_start3A_166 = tpu.memref_slice %arg18[%mul3A_0] : memref<100096xf32, #tpu.memory_space<vmem_shared>> -> memref<6256xf32, #tpu.memory_space<vmem_shared>>
      tpu.enqueue_dma source(%dma_start3A_166 : memref<6256xf32, #tpu.memory_space<vmem_shared>>) target(%arg16 : memref<6256xf32, #tpu.memory_space<vmem>>) target_semaphore(%run_scoped3A : memref<!tpu.dma_semaphore, #tpu.memory_space<semaphore_mem>>)
      %dma_wait3A = tpu.memref_slice %arg18[%mul3A_0] : memref<100096xf32, #tpu.memory_space<vmem_shared>> -> memref<6256xf32, #tpu.memory_space<vmem_shared>>
      %dma_wait3A_167 = tpu.memref_slice %arg18[%mul3A_0] : memref<100096xf32, #tpu.memory_space<vmem_shared>> -> memref<6256xf32, #tpu.memory_space<vmem_shared>>
      tpu.wait_dma2 semaphore(%run_scoped3A : memref<!tpu.dma_semaphore, #tpu.memory_space<semaphore_mem>>) src(%dma_wait3A_167 : memref<6256xf32, #tpu.memory_space<vmem_shared>>) dst(%arg16 : memref<6256xf32, #tpu.memory_space<vmem>>)
      tpu.yield
    }) : () -> ()
    %mul3A_128 = arith.constant 4 : i32
    %mul3A_129 = arith.muli %arg0, %mul3A_128 : i32
    %add3A_130 = arith.constant 0 : i32
    %add3A_131 = arith.addi %mul3A_129, %add3A_130 : i32
    %mul3A_132 = arith.constant 100096 : i32
    %mul3A_133 = arith.muli %add3A_131, %mul3A_132 : i32
    %add3A_134 = arith.addi %mul3A_133, %mul3A_0 : i32
    "tpu.region"() ({
      %run_scoped3A = tpu.sem_alloc : memref<!tpu.dma_semaphore, #tpu.memory_space<semaphore_mem>>
      %dma_start3A_165 = tpu.memref_slice %arg7[%add3A_134] : memref<800768xf32, #tpu.memory_space<hbm>> -> memref<6256xf32, #tpu.memory_space<hbm>>
      %dma_start3A_166 = tpu.memref_slice %arg7[%add3A_134] : memref<800768xf32, #tpu.memory_space<hbm>> -> memref<6256xf32, #tpu.memory_space<hbm>>
      tpu.enqueue_dma source(%arg16 : memref<6256xf32, #tpu.memory_space<vmem>>) target(%dma_start3A_166 : memref<6256xf32, #tpu.memory_space<hbm>>) target_semaphore(%run_scoped3A : memref<!tpu.dma_semaphore, #tpu.memory_space<semaphore_mem>>)
      %dma_wait3A = tpu.memref_slice %arg7[%add3A_134] : memref<800768xf32, #tpu.memory_space<hbm>> -> memref<6256xf32, #tpu.memory_space<hbm>>
      %dma_wait3A_167 = tpu.memref_slice %arg7[%add3A_134] : memref<800768xf32, #tpu.memory_space<hbm>> -> memref<6256xf32, #tpu.memory_space<hbm>>
      tpu.wait_dma2 semaphore(%run_scoped3A : memref<!tpu.dma_semaphore, #tpu.memory_space<semaphore_mem>>) src(%arg16 : memref<6256xf32, #tpu.memory_space<vmem>>) dst(%dma_wait3A_167 : memref<6256xf32, #tpu.memory_space<hbm>>)
      tpu.yield
    }) : () -> ()
    "tpu.region"() ({
      %run_scoped3A = tpu.sem_alloc : memref<!tpu.dma_semaphore, #tpu.memory_space<semaphore_mem>>
      %dma_start3A_165 = tpu.memref_slice %arg19[%mul3A_0] : memref<100096xf32, #tpu.memory_space<vmem_shared>> -> memref<6256xf32, #tpu.memory_space<vmem_shared>>
      %dma_start3A_166 = tpu.memref_slice %arg19[%mul3A_0] : memref<100096xf32, #tpu.memory_space<vmem_shared>> -> memref<6256xf32, #tpu.memory_space<vmem_shared>>
      tpu.enqueue_dma source(%dma_start3A_166 : memref<6256xf32, #tpu.memory_space<vmem_shared>>) target(%arg16 : memref<6256xf32, #tpu.memory_space<vmem>>) target_semaphore(%run_scoped3A : memref<!tpu.dma_semaphore, #tpu.memory_space<semaphore_mem>>)
      %dma_wait3A = tpu.memref_slice %arg19[%mul3A_0] : memref<100096xf32, #tpu.memory_space<vmem_shared>> -> memref<6256xf32, #tpu.memory_space<vmem_shared>>
      %dma_wait3A_167 = tpu.memref_slice %arg19[%mul3A_0] : memref<100096xf32, #tpu.memory_space<vmem_shared>> -> memref<6256xf32, #tpu.memory_space<vmem_shared>>
      tpu.wait_dma2 semaphore(%run_scoped3A : memref<!tpu.dma_semaphore, #tpu.memory_space<semaphore_mem>>) src(%dma_wait3A_167 : memref<6256xf32, #tpu.memory_space<vmem_shared>>) dst(%arg16 : memref<6256xf32, #tpu.memory_space<vmem>>)
      tpu.yield
    }) : () -> ()
    %mul3A_135 = arith.constant 4 : i32
    %mul3A_136 = arith.muli %arg0, %mul3A_135 : i32
    %add3A_137 = arith.constant 1 : i32
    %add3A_138 = arith.addi %mul3A_136, %add3A_137 : i32
    %mul3A_139 = arith.constant 100096 : i32
    %mul3A_140 = arith.muli %add3A_138, %mul3A_139 : i32
    %add3A_141 = arith.addi %mul3A_140, %mul3A_0 : i32
    "tpu.region"() ({
      %run_scoped3A = tpu.sem_alloc : memref<!tpu.dma_semaphore, #tpu.memory_space<semaphore_mem>>
      %dma_start3A_165 = tpu.memref_slice %arg7[%add3A_141] : memref<800768xf32, #tpu.memory_space<hbm>> -> memref<6256xf32, #tpu.memory_space<hbm>>
      %dma_start3A_166 = tpu.memref_slice %arg7[%add3A_141] : memref<800768xf32, #tpu.memory_space<hbm>> -> memref<6256xf32, #tpu.memory_space<hbm>>
      tpu.enqueue_dma source(%arg16 : memref<6256xf32, #tpu.memory_space<vmem>>) target(%dma_start3A_166 : memref<6256xf32, #tpu.memory_space<hbm>>) target_semaphore(%run_scoped3A : memref<!tpu.dma_semaphore, #tpu.memory_space<semaphore_mem>>)
      %dma_wait3A = tpu.memref_slice %arg7[%add3A_141] : memref<800768xf32, #tpu.memory_space<hbm>> -> memref<6256xf32, #tpu.memory_space<hbm>>
      %dma_wait3A_167 = tpu.memref_slice %arg7[%add3A_141] : memref<800768xf32, #tpu.memory_space<hbm>> -> memref<6256xf32, #tpu.memory_space<hbm>>
      tpu.wait_dma2 semaphore(%run_scoped3A : memref<!tpu.dma_semaphore, #tpu.memory_space<semaphore_mem>>) src(%arg16 : memref<6256xf32, #tpu.memory_space<vmem>>) dst(%dma_wait3A_167 : memref<6256xf32, #tpu.memory_space<hbm>>)
      tpu.yield
    }) : () -> ()
    "tpu.region"() ({
      %run_scoped3A = tpu.sem_alloc : memref<!tpu.dma_semaphore, #tpu.memory_space<semaphore_mem>>
      %dma_start3A_165 = tpu.memref_slice %arg20[%mul3A_0] : memref<100096xf32, #tpu.memory_space<vmem_shared>> -> memref<6256xf32, #tpu.memory_space<vmem_shared>>
      %dma_start3A_166 = tpu.memref_slice %arg20[%mul3A_0] : memref<100096xf32, #tpu.memory_space<vmem_shared>> -> memref<6256xf32, #tpu.memory_space<vmem_shared>>
      tpu.enqueue_dma source(%dma_start3A_166 : memref<6256xf32, #tpu.memory_space<vmem_shared>>) target(%arg16 : memref<6256xf32, #tpu.memory_space<vmem>>) target_semaphore(%run_scoped3A : memref<!tpu.dma_semaphore, #tpu.memory_space<semaphore_mem>>)
      %dma_wait3A = tpu.memref_slice %arg20[%mul3A_0] : memref<100096xf32, #tpu.memory_space<vmem_shared>> -> memref<6256xf32, #tpu.memory_space<vmem_shared>>
      %dma_wait3A_167 = tpu.memref_slice %arg20[%mul3A_0] : memref<100096xf32, #tpu.memory_space<vmem_shared>> -> memref<6256xf32, #tpu.memory_space<vmem_shared>>
      tpu.wait_dma2 semaphore(%run_scoped3A : memref<!tpu.dma_semaphore, #tpu.memory_space<semaphore_mem>>) src(%dma_wait3A_167 : memref<6256xf32, #tpu.memory_space<vmem_shared>>) dst(%arg16 : memref<6256xf32, #tpu.memory_space<vmem>>)
      tpu.yield
    }) : () -> ()
    %mul3A_142 = arith.constant 4 : i32
    %mul3A_143 = arith.muli %arg0, %mul3A_142 : i32
    %add3A_144 = arith.constant 2 : i32
    %add3A_145 = arith.addi %mul3A_143, %add3A_144 : i32
    %mul3A_146 = arith.constant 100096 : i32
    %mul3A_147 = arith.muli %add3A_145, %mul3A_146 : i32
    %add3A_148 = arith.addi %mul3A_147, %mul3A_0 : i32
    "tpu.region"() ({
      %run_scoped3A = tpu.sem_alloc : memref<!tpu.dma_semaphore, #tpu.memory_space<semaphore_mem>>
      %dma_start3A_165 = tpu.memref_slice %arg7[%add3A_148] : memref<800768xf32, #tpu.memory_space<hbm>> -> memref<6256xf32, #tpu.memory_space<hbm>>
      %dma_start3A_166 = tpu.memref_slice %arg7[%add3A_148] : memref<800768xf32, #tpu.memory_space<hbm>> -> memref<6256xf32, #tpu.memory_space<hbm>>
      tpu.enqueue_dma source(%arg16 : memref<6256xf32, #tpu.memory_space<vmem>>) target(%dma_start3A_166 : memref<6256xf32, #tpu.memory_space<hbm>>) target_semaphore(%run_scoped3A : memref<!tpu.dma_semaphore, #tpu.memory_space<semaphore_mem>>)
      %dma_wait3A = tpu.memref_slice %arg7[%add3A_148] : memref<800768xf32, #tpu.memory_space<hbm>> -> memref<6256xf32, #tpu.memory_space<hbm>>
      %dma_wait3A_167 = tpu.memref_slice %arg7[%add3A_148] : memref<800768xf32, #tpu.memory_space<hbm>> -> memref<6256xf32, #tpu.memory_space<hbm>>
      tpu.wait_dma2 semaphore(%run_scoped3A : memref<!tpu.dma_semaphore, #tpu.memory_space<semaphore_mem>>) src(%arg16 : memref<6256xf32, #tpu.memory_space<vmem>>) dst(%dma_wait3A_167 : memref<6256xf32, #tpu.memory_space<hbm>>)
      tpu.yield
    }) : () -> ()
    "tpu.region"() ({
      %run_scoped3A = tpu.sem_alloc : memref<!tpu.dma_semaphore, #tpu.memory_space<semaphore_mem>>
      %dma_start3A_165 = tpu.memref_slice %arg21[%mul3A_0] : memref<100096xf32, #tpu.memory_space<vmem_shared>> -> memref<6256xf32, #tpu.memory_space<vmem_shared>>
      %dma_start3A_166 = tpu.memref_slice %arg21[%mul3A_0] : memref<100096xf32, #tpu.memory_space<vmem_shared>> -> memref<6256xf32, #tpu.memory_space<vmem_shared>>
      tpu.enqueue_dma source(%dma_start3A_166 : memref<6256xf32, #tpu.memory_space<vmem_shared>>) target(%arg16 : memref<6256xf32, #tpu.memory_space<vmem>>) target_semaphore(%run_scoped3A : memref<!tpu.dma_semaphore, #tpu.memory_space<semaphore_mem>>)
      %dma_wait3A = tpu.memref_slice %arg21[%mul3A_0] : memref<100096xf32, #tpu.memory_space<vmem_shared>> -> memref<6256xf32, #tpu.memory_space<vmem_shared>>
      %dma_wait3A_167 = tpu.memref_slice %arg21[%mul3A_0] : memref<100096xf32, #tpu.memory_space<vmem_shared>> -> memref<6256xf32, #tpu.memory_space<vmem_shared>>
      tpu.wait_dma2 semaphore(%run_scoped3A : memref<!tpu.dma_semaphore, #tpu.memory_space<semaphore_mem>>) src(%dma_wait3A_167 : memref<6256xf32, #tpu.memory_space<vmem_shared>>) dst(%arg16 : memref<6256xf32, #tpu.memory_space<vmem>>)
      tpu.yield
    }) : () -> ()
    %mul3A_149 = arith.constant 4 : i32
    %mul3A_150 = arith.muli %arg0, %mul3A_149 : i32
    %add3A_151 = arith.constant 3 : i32
    %add3A_152 = arith.addi %mul3A_150, %add3A_151 : i32
    %mul3A_153 = arith.constant 100096 : i32
    %mul3A_154 = arith.muli %add3A_152, %mul3A_153 : i32
    %add3A_155 = arith.addi %mul3A_154, %mul3A_0 : i32
    "tpu.region"() ({
      %run_scoped3A = tpu.sem_alloc : memref<!tpu.dma_semaphore, #tpu.memory_space<semaphore_mem>>
      %dma_start3A_165 = tpu.memref_slice %arg7[%add3A_155] : memref<800768xf32, #tpu.memory_space<hbm>> -> memref<6256xf32, #tpu.memory_space<hbm>>
      %dma_start3A_166 = tpu.memref_slice %arg7[%add3A_155] : memref<800768xf32, #tpu.memory_space<hbm>> -> memref<6256xf32, #tpu.memory_space<hbm>>
      tpu.enqueue_dma source(%arg16 : memref<6256xf32, #tpu.memory_space<vmem>>) target(%dma_start3A_166 : memref<6256xf32, #tpu.memory_space<hbm>>) target_semaphore(%run_scoped3A : memref<!tpu.dma_semaphore, #tpu.memory_space<semaphore_mem>>)
      %dma_wait3A = tpu.memref_slice %arg7[%add3A_155] : memref<800768xf32, #tpu.memory_space<hbm>> -> memref<6256xf32, #tpu.memory_space<hbm>>
      %dma_wait3A_167 = tpu.memref_slice %arg7[%add3A_155] : memref<800768xf32, #tpu.memory_space<hbm>> -> memref<6256xf32, #tpu.memory_space<hbm>>
      tpu.wait_dma2 semaphore(%run_scoped3A : memref<!tpu.dma_semaphore, #tpu.memory_space<semaphore_mem>>) src(%arg16 : memref<6256xf32, #tpu.memory_space<vmem>>) dst(%dma_wait3A_167 : memref<6256xf32, #tpu.memory_space<hbm>>)
      tpu.yield
    }) : () -> ()
    "tpu.region"() ({
      %run_scoped3A = tpu.sem_alloc : memref<!tpu.dma_semaphore, #tpu.memory_space<semaphore_mem>>
      %dma_start3A_165 = tpu.memref_slice %arg22[%mul3A_0] : memref<100096xf32, #tpu.memory_space<vmem_shared>> -> memref<6256xf32, #tpu.memory_space<vmem_shared>>
      %dma_start3A_166 = tpu.memref_slice %arg22[%mul3A_0] : memref<100096xf32, #tpu.memory_space<vmem_shared>> -> memref<6256xf32, #tpu.memory_space<vmem_shared>>
      tpu.enqueue_dma source(%dma_start3A_166 : memref<6256xf32, #tpu.memory_space<vmem_shared>>) target(%arg16 : memref<6256xf32, #tpu.memory_space<vmem>>) target_semaphore(%run_scoped3A : memref<!tpu.dma_semaphore, #tpu.memory_space<semaphore_mem>>)
      %dma_wait3A = tpu.memref_slice %arg22[%mul3A_0] : memref<100096xf32, #tpu.memory_space<vmem_shared>> -> memref<6256xf32, #tpu.memory_space<vmem_shared>>
      %dma_wait3A_167 = tpu.memref_slice %arg22[%mul3A_0] : memref<100096xf32, #tpu.memory_space<vmem_shared>> -> memref<6256xf32, #tpu.memory_space<vmem_shared>>
      tpu.wait_dma2 semaphore(%run_scoped3A : memref<!tpu.dma_semaphore, #tpu.memory_space<semaphore_mem>>) src(%dma_wait3A_167 : memref<6256xf32, #tpu.memory_space<vmem_shared>>) dst(%arg16 : memref<6256xf32, #tpu.memory_space<vmem>>)
      tpu.yield
    }) : () -> ()
    %mul3A_156 = arith.constant 100096 : i32
    %mul3A_157 = arith.muli %arg0, %mul3A_156 : i32
    %add3A_158 = arith.addi %mul3A_157, %mul3A_0 : i32
    "tpu.region"() ({
      %run_scoped3A = tpu.sem_alloc : memref<!tpu.dma_semaphore, #tpu.memory_space<semaphore_mem>>
      %dma_start3A_165 = tpu.memref_slice %arg8[%add3A_158] : memref<200192xf32, #tpu.memory_space<hbm>> -> memref<6256xf32, #tpu.memory_space<hbm>>
      %dma_start3A_166 = tpu.memref_slice %arg8[%add3A_158] : memref<200192xf32, #tpu.memory_space<hbm>> -> memref<6256xf32, #tpu.memory_space<hbm>>
      tpu.enqueue_dma source(%arg16 : memref<6256xf32, #tpu.memory_space<vmem>>) target(%dma_start3A_166 : memref<6256xf32, #tpu.memory_space<hbm>>) target_semaphore(%run_scoped3A : memref<!tpu.dma_semaphore, #tpu.memory_space<semaphore_mem>>)
      %dma_wait3A = tpu.memref_slice %arg8[%add3A_158] : memref<200192xf32, #tpu.memory_space<hbm>> -> memref<6256xf32, #tpu.memory_space<hbm>>
      %dma_wait3A_167 = tpu.memref_slice %arg8[%add3A_158] : memref<200192xf32, #tpu.memory_space<hbm>> -> memref<6256xf32, #tpu.memory_space<hbm>>
      tpu.wait_dma2 semaphore(%run_scoped3A : memref<!tpu.dma_semaphore, #tpu.memory_space<semaphore_mem>>) src(%arg16 : memref<6256xf32, #tpu.memory_space<vmem>>) dst(%dma_wait3A_167 : memref<6256xf32, #tpu.memory_space<hbm>>)
      tpu.yield
    }) : () -> ()
    %mul3A_159 = arith.constant 4 : i32
    %mul3A_160 = arith.muli %arg0, %mul3A_159 : i32
    %add3A_161 = arith.addi %mul3A_160, %div3A_6 : i32
    %mul3A_162 = arith.constant 100096 : i32
    %mul3A_163 = arith.muli %add3A_161, %mul3A_162 : i32
    %add3A_164 = arith.addi %mul3A_163, %mul3A_5 : i32
    "tpu.region"() ({
      %run_scoped3A = tpu.sem_alloc : memref<!tpu.dma_semaphore, #tpu.memory_space<semaphore_mem>>
      %dma_start3A_165 = arith.constant 0 : i32
      %dma_start3A_166 = tpu.memref_slice %arg17[%dma_start3A_165] : memref<25040xf32, #tpu.memory_space<vmem>> -> memref<25024xf32, #tpu.memory_space<vmem>>
      %dma_start3A_167 = tpu.memref_slice %arg9[%add3A_164] : memref<800768xf32, #tpu.memory_space<hbm>> -> memref<25024xf32, #tpu.memory_space<hbm>>
      %dma_start3A_168 = tpu.memref_slice %arg9[%add3A_164] : memref<800768xf32, #tpu.memory_space<hbm>> -> memref<25024xf32, #tpu.memory_space<hbm>>
      %dma_start3A_169 = arith.constant 0 : i32
      %dma_start3A_170 = tpu.memref_slice %arg17[%dma_start3A_169] : memref<25040xf32, #tpu.memory_space<vmem>> -> memref<25024xf32, #tpu.memory_space<vmem>>
      tpu.enqueue_dma source(%dma_start3A_170 : memref<25024xf32, #tpu.memory_space<vmem>>) target(%dma_start3A_168 : memref<25024xf32, #tpu.memory_space<hbm>>) target_semaphore(%run_scoped3A : memref<!tpu.dma_semaphore, #tpu.memory_space<semaphore_mem>>)
      %dma_wait3A = arith.constant 0 : i32
      %dma_wait3A_171 = tpu.memref_slice %arg17[%dma_wait3A] : memref<25040xf32, #tpu.memory_space<vmem>> -> memref<25024xf32, #tpu.memory_space<vmem>>
      %dma_wait3A_172 = tpu.memref_slice %arg9[%add3A_164] : memref<800768xf32, #tpu.memory_space<hbm>> -> memref<25024xf32, #tpu.memory_space<hbm>>
      %dma_wait3A_173 = tpu.memref_slice %arg9[%add3A_164] : memref<800768xf32, #tpu.memory_space<hbm>> -> memref<25024xf32, #tpu.memory_space<hbm>>
      %dma_wait3A_174 = arith.constant 0 : i32
      %dma_wait3A_175 = tpu.memref_slice %arg17[%dma_wait3A_174] : memref<25040xf32, #tpu.memory_space<vmem>> -> memref<25024xf32, #tpu.memory_space<vmem>>
      tpu.wait_dma2 semaphore(%run_scoped3A : memref<!tpu.dma_semaphore, #tpu.memory_space<semaphore_mem>>) src(%dma_wait3A_175 : memref<25024xf32, #tpu.memory_space<vmem>>) dst(%dma_wait3A_173 : memref<25024xf32, #tpu.memory_space<hbm>>)
      tpu.yield
    }) : () -> ()
    return
  }
}

module attributes {stable_mosaic.version = 14 : i64} {
  func.func @_mlp_body(%arg0: i32, %arg1: memref<1000x128xf32, #tpu.memory_space<vmem>>, %arg2: memref<1x1x1000xi32, #tpu.memory_space<vmem>>, %arg3: memref<16x16xf32, #tpu.memory_space<vmem>>, %arg4: memref<128x128xf32, #tpu.memory_space<vmem>>, %arg5: memref<12x128xf32, #tpu.memory_space<vmem>>, %arg6: memref<16x128xf32, #tpu.memory_space<vmem>>, %arg7: memref<1x128xf32, #tpu.memory_space<vmem>>, %arg8: memref<128x128xf32, #tpu.memory_space<vmem>>, %arg9: memref<1x128xf32, #tpu.memory_space<vmem>>, %arg10: memref<1x1x1000xf32, #tpu.memory_space<vmem>>, %arg11: memref<1x1x1000xf32, #tpu.memory_space<vmem>>, %arg12: memref<1x1x1000xf32, #tpu.memory_space<vmem>>, %arg13: memref<1x1x1000xf32, #tpu.memory_space<vmem>>, %arg14: memref<1x1x1000xf32, #tpu.memory_space<vmem>>, %arg15: memref<1x1x1000xf32, #tpu.memory_space<vmem>>, %arg16: memref<1x1x1000xf32, #tpu.memory_space<vmem>>, %arg17: memref<1x1x1000xf32, #tpu.memory_space<vmem>>, %arg18: memref<1x1x1000xf32, #tpu.memory_space<vmem>>, %arg19: memref<1x1x1000xf32, #tpu.memory_space<vmem>>, %arg20: memref<1x1x1000xf32, #tpu.memory_space<vmem>>, %arg21: memref<1x1x1000xf32, #tpu.memory_space<vmem>>, %arg22: memref<1x1x1000xf32, #tpu.memory_space<vmem>>, %arg23: memref<1x1x1000xf32, #tpu.memory_space<vmem>>, %arg24: memref<1x1x1000xf32, #tpu.memory_space<vmem>>, %arg25: memref<1x1x1000xf32, #tpu.memory_space<vmem>>, %arg26: memref<1x1x1000xf32, #tpu.memory_space<vmem>>, %arg27: memref<1x1x1000xf32, #tpu.memory_space<vmem>>, %arg28: memref<1000x128xf32, #tpu.memory_space<vmem>>) attributes {dimension_semantics = [#tpu.dimension_semantics<arbitrary>], iteration_bounds = array<i64: 100>, scalar_prefetch = 0 : i64, scratch_operands = 0 : i64, tpu.core_type = #tpu.core_type<tc>, window_params = [{transform_indices = @transform_0, window_bounds = array<i64: 1000, 128>}, {transform_indices = @transform_1, window_bounds = array<i64: 1, 1, 1000>}, {pipeline_mode = #tpu.pipeline_mode<synchronous>, transform_indices = @transform_2, window_bounds = array<i64: 16, 16>}, {pipeline_mode = #tpu.pipeline_mode<synchronous>, transform_indices = @transform_3, window_bounds = array<i64: 128, 128>}, {pipeline_mode = #tpu.pipeline_mode<synchronous>, transform_indices = @transform_4, window_bounds = array<i64: 12, 128>}, {pipeline_mode = #tpu.pipeline_mode<synchronous>, transform_indices = @transform_5, window_bounds = array<i64: 16, 128>}, {pipeline_mode = #tpu.pipeline_mode<synchronous>, transform_indices = @transform_6, window_bounds = array<i64: 1, 128>}, {pipeline_mode = #tpu.pipeline_mode<synchronous>, transform_indices = @transform_7, window_bounds = array<i64: 128, 128>}, {pipeline_mode = #tpu.pipeline_mode<synchronous>, transform_indices = @transform_8, window_bounds = array<i64: 1, 128>}, {transform_indices = @transform_9, window_bounds = array<i64: 1, 1, 1000>}, {transform_indices = @transform_10, window_bounds = array<i64: 1, 1, 1000>}, {transform_indices = @transform_11, window_bounds = array<i64: 1, 1, 1000>}, {transform_indices = @transform_12, window_bounds = array<i64: 1, 1, 1000>}, {transform_indices = @transform_13, window_bounds = array<i64: 1, 1, 1000>}, {transform_indices = @transform_14, window_bounds = array<i64: 1, 1, 1000>}, {transform_indices = @transform_15, window_bounds = array<i64: 1, 1, 1000>}, {transform_indices = @transform_16, window_bounds = array<i64: 1, 1, 1000>}, {transform_indices = @transform_17, window_bounds = array<i64: 1, 1, 1000>}, {transform_indices = @transform_18, window_bounds = array<i64: 1, 1, 1000>}, {transform_indices = @transform_19, window_bounds = array<i64: 1, 1, 1000>}, {transform_indices = @transform_20, window_bounds = array<i64: 1, 1, 1000>}, {transform_indices = @transform_21, window_bounds = array<i64: 1, 1, 1000>}, {transform_indices = @transform_22, window_bounds = array<i64: 1, 1, 1000>}, {transform_indices = @transform_23, window_bounds = array<i64: 1, 1, 1000>}, {transform_indices = @transform_24, window_bounds = array<i64: 1, 1, 1000>}, {transform_indices = @transform_25, window_bounds = array<i64: 1, 1, 1000>}, {transform_indices = @transform_26, window_bounds = array<i64: 1, 1, 1000>}, {transform_indices = @transform_27, window_bounds = array<i64: 1000, 128>}]} {
    %get3A = arith.constant 0 : index
    %get3A_0 = arith.constant 0 : index
    %get3A_1 = arith.constant 0 : index
    %get3A_2 = vector.load %arg18[%get3A, %get3A_0, %get3A_1] : memref<1x1x1000xf32, #tpu.memory_space<vmem>>, vector<1x1x1000xf32>
    %get3A_3 = vector.shape_cast %get3A_2 : vector<1x1x1000xf32> to vector<1000xf32>
    %get3A_4 = arith.constant 0 : index
    %get3A_5 = arith.constant 0 : index
    %get3A_6 = arith.constant 0 : index
    %get3A_7 = vector.load %arg19[%get3A_4, %get3A_5, %get3A_6] : memref<1x1x1000xf32, #tpu.memory_space<vmem>>, vector<1x1x1000xf32>
    %get3A_8 = vector.shape_cast %get3A_7 : vector<1x1x1000xf32> to vector<1000xf32>
    %add3A = arith.addf %get3A_3, %get3A_8 : vector<1000xf32>
    %broadcast_in_dim3A = vector.shape_cast %add3A : vector<1000xf32> to vector<1000x1xf32>
    %get3A_9 = arith.constant 0 : index
    %get3A_10 = arith.constant 0 : index
    %get3A_11 = arith.constant 0 : index
    %get3A_12 = vector.load %arg10[%get3A_9, %get3A_10, %get3A_11] : memref<1x1x1000xf32, #tpu.memory_space<vmem>>, vector<1x1x1000xf32>
    %get3A_13 = vector.shape_cast %get3A_12 : vector<1x1x1000xf32> to vector<1000xf32>
    %get3A_14 = arith.constant 0 : index
    %get3A_15 = arith.constant 0 : index
    %get3A_16 = arith.constant 0 : index
    %get3A_17 = vector.load %arg14[%get3A_14, %get3A_15, %get3A_16] : memref<1x1x1000xf32, #tpu.memory_space<vmem>>, vector<1x1x1000xf32>
    %get3A_18 = vector.shape_cast %get3A_17 : vector<1x1x1000xf32> to vector<1000xf32>
    %add3A_19 = arith.addf %get3A_13, %get3A_18 : vector<1000xf32>
    %broadcast_in_dim3A_20 = vector.shape_cast %add3A_19 : vector<1000xf32> to vector<1000x1xf32>
    %get3A_21 = arith.constant 0 : index
    %get3A_22 = arith.constant 0 : index
    %get3A_23 = arith.constant 0 : index
    %get3A_24 = vector.load %arg11[%get3A_21, %get3A_22, %get3A_23] : memref<1x1x1000xf32, #tpu.memory_space<vmem>>, vector<1x1x1000xf32>
    %get3A_25 = vector.shape_cast %get3A_24 : vector<1x1x1000xf32> to vector<1000xf32>
    %get3A_26 = arith.constant 0 : index
    %get3A_27 = arith.constant 0 : index
    %get3A_28 = arith.constant 0 : index
    %get3A_29 = vector.load %arg15[%get3A_26, %get3A_27, %get3A_28] : memref<1x1x1000xf32, #tpu.memory_space<vmem>>, vector<1x1x1000xf32>
    %get3A_30 = vector.shape_cast %get3A_29 : vector<1x1x1000xf32> to vector<1000xf32>
    %add3A_31 = arith.addf %get3A_25, %get3A_30 : vector<1000xf32>
    %broadcast_in_dim3A_32 = vector.shape_cast %add3A_31 : vector<1000xf32> to vector<1000x1xf32>
    %get3A_33 = arith.constant 0 : index
    %get3A_34 = arith.constant 0 : index
    %get3A_35 = arith.constant 0 : index
    %get3A_36 = vector.load %arg12[%get3A_33, %get3A_34, %get3A_35] : memref<1x1x1000xf32, #tpu.memory_space<vmem>>, vector<1x1x1000xf32>
    %get3A_37 = vector.shape_cast %get3A_36 : vector<1x1x1000xf32> to vector<1000xf32>
    %get3A_38 = arith.constant 0 : index
    %get3A_39 = arith.constant 0 : index
    %get3A_40 = arith.constant 0 : index
    %get3A_41 = vector.load %arg16[%get3A_38, %get3A_39, %get3A_40] : memref<1x1x1000xf32, #tpu.memory_space<vmem>>, vector<1x1x1000xf32>
    %get3A_42 = vector.shape_cast %get3A_41 : vector<1x1x1000xf32> to vector<1000xf32>
    %add3A_43 = arith.addf %get3A_37, %get3A_42 : vector<1000xf32>
    %broadcast_in_dim3A_44 = vector.shape_cast %add3A_43 : vector<1000xf32> to vector<1000x1xf32>
    %get3A_45 = arith.constant 0 : index
    %get3A_46 = arith.constant 0 : index
    %get3A_47 = arith.constant 0 : index
    %get3A_48 = vector.load %arg13[%get3A_45, %get3A_46, %get3A_47] : memref<1x1x1000xf32, #tpu.memory_space<vmem>>, vector<1x1x1000xf32>
    %get3A_49 = vector.shape_cast %get3A_48 : vector<1x1x1000xf32> to vector<1000xf32>
    %get3A_50 = arith.constant 0 : index
    %get3A_51 = arith.constant 0 : index
    %get3A_52 = arith.constant 0 : index
    %get3A_53 = vector.load %arg17[%get3A_50, %get3A_51, %get3A_52] : memref<1x1x1000xf32, #tpu.memory_space<vmem>>, vector<1x1x1000xf32>
    %get3A_54 = vector.shape_cast %get3A_53 : vector<1x1x1000xf32> to vector<1000xf32>
    %add3A_55 = arith.addf %get3A_49, %get3A_54 : vector<1000xf32>
    %broadcast_in_dim3A_56 = vector.shape_cast %add3A_55 : vector<1000xf32> to vector<1000x1xf32>
    %get3A_57 = arith.constant 0 : index
    %get3A_58 = arith.constant 0 : index
    %get3A_59 = arith.constant 0 : index
    %get3A_60 = vector.load %arg20[%get3A_57, %get3A_58, %get3A_59] : memref<1x1x1000xf32, #tpu.memory_space<vmem>>, vector<1x1x1000xf32>
    %get3A_61 = vector.shape_cast %get3A_60 : vector<1x1x1000xf32> to vector<1000xf32>
    %get3A_62 = arith.constant 0 : index
    %get3A_63 = arith.constant 0 : index
    %get3A_64 = arith.constant 0 : index
    %get3A_65 = vector.load %arg24[%get3A_62, %get3A_63, %get3A_64] : memref<1x1x1000xf32, #tpu.memory_space<vmem>>, vector<1x1x1000xf32>
    %get3A_66 = vector.shape_cast %get3A_65 : vector<1x1x1000xf32> to vector<1000xf32>
    %max3A = arith.maximumf %get3A_61, %get3A_66 : vector<1000xf32>
    %broadcast_in_dim3A_67 = vector.shape_cast %max3A : vector<1000xf32> to vector<1000x1xf32>
    %get3A_68 = arith.constant 0 : index
    %get3A_69 = arith.constant 0 : index
    %get3A_70 = arith.constant 0 : index
    %get3A_71 = vector.load %arg21[%get3A_68, %get3A_69, %get3A_70] : memref<1x1x1000xf32, #tpu.memory_space<vmem>>, vector<1x1x1000xf32>
    %get3A_72 = vector.shape_cast %get3A_71 : vector<1x1x1000xf32> to vector<1000xf32>
    %get3A_73 = arith.constant 0 : index
    %get3A_74 = arith.constant 0 : index
    %get3A_75 = arith.constant 0 : index
    %get3A_76 = vector.load %arg25[%get3A_73, %get3A_74, %get3A_75] : memref<1x1x1000xf32, #tpu.memory_space<vmem>>, vector<1x1x1000xf32>
    %get3A_77 = vector.shape_cast %get3A_76 : vector<1x1x1000xf32> to vector<1000xf32>
    %max3A_78 = arith.maximumf %get3A_72, %get3A_77 : vector<1000xf32>
    %broadcast_in_dim3A_79 = vector.shape_cast %max3A_78 : vector<1000xf32> to vector<1000x1xf32>
    %get3A_80 = arith.constant 0 : index
    %get3A_81 = arith.constant 0 : index
    %get3A_82 = arith.constant 0 : index
    %get3A_83 = vector.load %arg22[%get3A_80, %get3A_81, %get3A_82] : memref<1x1x1000xf32, #tpu.memory_space<vmem>>, vector<1x1x1000xf32>
    %get3A_84 = vector.shape_cast %get3A_83 : vector<1x1x1000xf32> to vector<1000xf32>
    %get3A_85 = arith.constant 0 : index
    %get3A_86 = arith.constant 0 : index
    %get3A_87 = arith.constant 0 : index
    %get3A_88 = vector.load %arg26[%get3A_85, %get3A_86, %get3A_87] : memref<1x1x1000xf32, #tpu.memory_space<vmem>>, vector<1x1x1000xf32>
    %get3A_89 = vector.shape_cast %get3A_88 : vector<1x1x1000xf32> to vector<1000xf32>
    %max3A_90 = arith.maximumf %get3A_84, %get3A_89 : vector<1000xf32>
    %broadcast_in_dim3A_91 = vector.shape_cast %max3A_90 : vector<1000xf32> to vector<1000x1xf32>
    %get3A_92 = arith.constant 0 : index
    %get3A_93 = arith.constant 0 : index
    %get3A_94 = arith.constant 0 : index
    %get3A_95 = vector.load %arg23[%get3A_92, %get3A_93, %get3A_94] : memref<1x1x1000xf32, #tpu.memory_space<vmem>>, vector<1x1x1000xf32>
    %get3A_96 = vector.shape_cast %get3A_95 : vector<1x1x1000xf32> to vector<1000xf32>
    %get3A_97 = arith.constant 0 : index
    %get3A_98 = arith.constant 0 : index
    %get3A_99 = arith.constant 0 : index
    %get3A_100 = vector.load %arg27[%get3A_97, %get3A_98, %get3A_99] : memref<1x1x1000xf32, #tpu.memory_space<vmem>>, vector<1x1x1000xf32>
    %get3A_101 = vector.shape_cast %get3A_100 : vector<1x1x1000xf32> to vector<1000xf32>
    %max3A_102 = arith.maximumf %get3A_96, %get3A_101 : vector<1000xf32>
    %broadcast_in_dim3A_103 = vector.shape_cast %max3A_102 : vector<1000xf32> to vector<1000x1xf32>
    %gt3A = arith.constant 0.000000e+00 : f32
    %gt3A_104 = vector.broadcast %gt3A : f32 to vector<1000x1xf32>
    %gt3A_105 = arith.cmpf ogt, %broadcast_in_dim3A, %gt3A_104 : vector<1000x1xf32>
    %max3A_106 = arith.constant 1.000000e+00 : f32
    %max3A_107 = vector.broadcast %max3A_106 : f32 to vector<1000x1xf32>
    %max3A_108 = arith.maximumf %broadcast_in_dim3A, %max3A_107 : vector<1000x1xf32>
    %div3A = arith.constant 1.000000e+00 : f32
    %div3A_109 = vector.broadcast %div3A : f32 to vector<1000x1xf32>
    %div3A_110 = arith.divf %div3A_109, %max3A_108 : vector<1000x1xf32>
    %jit3A = arith.constant 0.000000e+00 : f32
    %broadcast_in_dim3A_111 = vector.broadcast %jit3A : f32 to vector<1000x1xf32>
    %select_n3A = arith.select %gt3A_105, %broadcast_in_dim3A_67, %broadcast_in_dim3A_111 : vector<1000x1xi1>, vector<1000x1xf32>
    %jit3A_112 = arith.constant 0.000000e+00 : f32
    %broadcast_in_dim3A_113 = vector.broadcast %jit3A_112 : f32 to vector<1000x1xf32>
    %select_n3A_114 = arith.select %gt3A_105, %broadcast_in_dim3A_79, %broadcast_in_dim3A_113 : vector<1000x1xi1>, vector<1000x1xf32>
    %jit3A_115 = arith.constant 0.000000e+00 : f32
    %broadcast_in_dim3A_116 = vector.broadcast %jit3A_115 : f32 to vector<1000x1xf32>
    %select_n3A_117 = arith.select %gt3A_105, %broadcast_in_dim3A_91, %broadcast_in_dim3A_116 : vector<1000x1xi1>, vector<1000x1xf32>
    %jit3A_118 = arith.constant 0.000000e+00 : f32
    %broadcast_in_dim3A_119 = vector.broadcast %jit3A_118 : f32 to vector<1000x1xf32>
    %select_n3A_120 = arith.select %gt3A_105, %broadcast_in_dim3A_103, %broadcast_in_dim3A_119 : vector<1000x1xi1>, vector<1000x1xf32>
    %mul3A = arith.mulf %broadcast_in_dim3A_20, %div3A_110 : vector<1000x1xf32>
    %mul3A_121 = arith.mulf %broadcast_in_dim3A_32, %div3A_110 : vector<1000x1xf32>
    %mul3A_122 = arith.mulf %broadcast_in_dim3A_44, %div3A_110 : vector<1000x1xf32>
    %mul3A_123 = arith.mulf %broadcast_in_dim3A_56, %div3A_110 : vector<1000x1xf32>
    %concatenate3A = tpu.concatenate %broadcast_in_dim3A_20, %broadcast_in_dim3A_32, %broadcast_in_dim3A_44, %broadcast_in_dim3A_56, %select_n3A, %select_n3A_114, %select_n3A_117, %select_n3A_120, %mul3A, %mul3A_121, %mul3A_122, %mul3A_123 in 1 : vector<1000x1xf32>, vector<1000x1xf32>, vector<1000x1xf32>, vector<1000x1xf32>, vector<1000x1xf32>, vector<1000x1xf32>, vector<1000x1xf32>, vector<1000x1xf32>, vector<1000x1xf32>, vector<1000x1xf32>, vector<1000x1xf32>, vector<1000x1xf32> -> vector<1000x12xf32>
    %get3A_124 = arith.constant 0 : index
    %get3A_125 = arith.constant 0 : index
    %get3A_126 = arith.constant 0 : index
    %get3A_127 = vector.load %arg2[%get3A_124, %get3A_125, %get3A_126] : memref<1x1x1000xi32, #tpu.memory_space<vmem>>, vector<1x1x1000xi32>
    %get3A_128 = vector.shape_cast %get3A_127 : vector<1x1x1000xi32> to vector<1000xi32>
    %broadcast_in_dim3A_129 = vector.shape_cast %get3A_128 : vector<1000xi32> to vector<1000x1xi32>
    %iota3A = tpu.iota {dimensions = array<i32: 1>} : vector<1x16xi32>
    %eq3A = vector.broadcast %broadcast_in_dim3A_129 : vector<1000x1xi32> to vector<1000x16xi32>
    %eq3A_130 = vector.broadcast %iota3A : vector<1x16xi32> to vector<1000x16xi32>
    %eq3A_131 = arith.cmpi eq, %eq3A, %eq3A_130 : vector<1000x16xi32>
    %convert_element_type3A = arith.extui %eq3A_131 : vector<1000x16xi1> to vector<1000x16xi32>
    %convert_element_type3A_132 = arith.sitofp %convert_element_type3A : vector<1000x16xi32> to vector<1000x16xf32>
    %get3A_133 = arith.constant 0 : index
    %get3A_134 = arith.constant 0 : index
    %get3A_135 = vector.load %arg3[%get3A_133, %get3A_134] : memref<16x16xf32, #tpu.memory_space<vmem>>, vector<16x16xf32>
    %get3A_136 = arith.constant 0 : index
    %get3A_137 = arith.constant 0 : index
    %get3A_138 = vector.load %arg6[%get3A_136, %get3A_137] : memref<16x128xf32, #tpu.memory_space<vmem>>, vector<16x128xf32>
    %dot_general3A = arith.constant dense<0.000000e+00> : vector<16x128xf32>
    %dot_general3A_139 = tpu.matmul %get3A_135, %get3A_138, %dot_general3A {dimension_numbers = #tpu.dot_dimension_numbers<[1], [0], [0], [1], [0, 0, 1, 1], [], []>, transpose_lhs_hint = false} : vector<16x16xf32>, vector<16x128xf32>, vector<16x128xf32> -> vector<16x128xf32>
    %get3A_140 = arith.constant 0 : index
    %get3A_141 = arith.constant 0 : index
    %get3A_142 = vector.load %arg1[%get3A_140, %get3A_141] : memref<1000x128xf32, #tpu.memory_space<vmem>>, vector<1000x128xf32>
    %get3A_143 = arith.constant 0 : index
    %get3A_144 = arith.constant 0 : index
    %get3A_145 = vector.load %arg4[%get3A_143, %get3A_144] : memref<128x128xf32, #tpu.memory_space<vmem>>, vector<128x128xf32>
    %dot_general3A_146 = arith.constant dense<0.000000e+00> : vector<1000x128xf32>
    %dot_general3A_147 = tpu.matmul %get3A_142, %get3A_145, %dot_general3A_146 {dimension_numbers = #tpu.dot_dimension_numbers<[1], [0], [0], [1], [0, 0, 1, 1], [], []>, transpose_lhs_hint = false} : vector<1000x128xf32>, vector<128x128xf32>, vector<1000x128xf32> -> vector<1000x128xf32>
    %get3A_148 = arith.constant 0 : index
    %get3A_149 = arith.constant 0 : index
    %get3A_150 = vector.load %arg5[%get3A_148, %get3A_149] : memref<12x128xf32, #tpu.memory_space<vmem>>, vector<12x128xf32>
    %dot_general3A_151 = arith.constant dense<0.000000e+00> : vector<1000x128xf32>
    %dot_general3A_152 = tpu.matmul %concatenate3A, %get3A_150, %dot_general3A_151 {dimension_numbers = #tpu.dot_dimension_numbers<[1], [0], [0], [1], [0, 0, 1, 1], [], []>, transpose_lhs_hint = false} : vector<1000x12xf32>, vector<12x128xf32>, vector<1000x128xf32> -> vector<1000x128xf32>
    %add3A_153 = arith.addf %dot_general3A_147, %dot_general3A_152 : vector<1000x128xf32>
    %dot_general3A_154 = arith.constant dense<0.000000e+00> : vector<1000x128xf32>
    %dot_general3A_155 = tpu.matmul %convert_element_type3A_132, %dot_general3A_139, %dot_general3A_154 {dimension_numbers = #tpu.dot_dimension_numbers<[1], [0], [0], [1], [0, 0, 1, 1], [], []>, transpose_lhs_hint = false} : vector<1000x16xf32>, vector<16x128xf32>, vector<1000x128xf32> -> vector<1000x128xf32>
    %add3A_156 = arith.addf %add3A_153, %dot_general3A_155 : vector<1000x128xf32>
    %get3A_157 = arith.constant 0 : index
    %get3A_158 = arith.constant 0 : index
    %get3A_159 = vector.load %arg7[%get3A_157, %get3A_158] : memref<1x128xf32, #tpu.memory_space<vmem>>, vector<1x128xf32>
    %add3A_160 = vector.broadcast %get3A_159 : vector<1x128xf32> to vector<1000x128xf32>
    %add3A_161 = arith.addf %add3A_156, %add3A_160 : vector<1000x128xf32>
    %max3A_162 = arith.constant 0.000000e+00 : f32
    %max3A_163 = vector.broadcast %max3A_162 : f32 to vector<1000x128xf32>
    %max3A_164 = arith.maximumf %add3A_161, %max3A_163 : vector<1000x128xf32>
    %get3A_165 = arith.constant 0 : index
    %get3A_166 = arith.constant 0 : index
    %get3A_167 = vector.load %arg8[%get3A_165, %get3A_166] : memref<128x128xf32, #tpu.memory_space<vmem>>, vector<128x128xf32>
    %dot_general3A_168 = arith.constant dense<0.000000e+00> : vector<1000x128xf32>
    %dot_general3A_169 = tpu.matmul %max3A_164, %get3A_167, %dot_general3A_168 {dimension_numbers = #tpu.dot_dimension_numbers<[1], [0], [0], [1], [0, 0, 1, 1], [], []>, transpose_lhs_hint = false} : vector<1000x128xf32>, vector<128x128xf32>, vector<1000x128xf32> -> vector<1000x128xf32>
    %get3A_170 = arith.constant 0 : index
    %get3A_171 = arith.constant 0 : index
    %get3A_172 = vector.load %arg9[%get3A_170, %get3A_171] : memref<1x128xf32, #tpu.memory_space<vmem>>, vector<1x128xf32>
    %add3A_173 = vector.broadcast %get3A_172 : vector<1x128xf32> to vector<1000x128xf32>
    %add3A_174 = arith.addf %dot_general3A_169, %add3A_173 : vector<1000x128xf32>
    %swap3A = arith.constant 0 : index
    %swap3A_175 = arith.constant 0 : index
    %swap3A_176 = vector.load %arg28[%swap3A, %swap3A_175] : memref<1000x128xf32, #tpu.memory_space<vmem>>, vector<1000x128xf32>
    tpu.vector_store %arg28[%swap3A, %swap3A_175], %add3A_174 {strides = array<i32>} : memref<1000x128xf32, #tpu.memory_space<vmem>>, vector<1000x128xf32>,
    return
  }
  func.func @transform_0(%arg0: i32) -> (i32, i32) {
    %c0_i32 = arith.constant 0 : i32
    %c0_i32_0 = arith.constant 0 : i32
    return %arg0, %c0_i32 : i32, i32
  }
  func.func @transform_1(%arg0: i32) -> (i32, i32, i32) {
    %c0_i32 = arith.constant 0 : i32
    %c0_i32_0 = arith.constant 0 : i32
    %c0_i32_1 = arith.constant 0 : i32
    return %arg0, %c0_i32, %c0_i32_0 : i32, i32, i32
  }
  func.func @transform_2(%arg0: i32) -> (i32, i32) {
    %c0_i32 = arith.constant 0 : i32
    %c0_i32_0 = arith.constant 0 : i32
    %c0_i32_1 = arith.constant 0 : i32
    return %c0_i32, %c0_i32_0 : i32, i32
  }
  func.func @transform_3(%arg0: i32) -> (i32, i32) {
    %c0_i32 = arith.constant 0 : i32
    %c0_i32_0 = arith.constant 0 : i32
    %c0_i32_1 = arith.constant 0 : i32
    return %c0_i32, %c0_i32_0 : i32, i32
  }
  func.func @transform_4(%arg0: i32) -> (i32, i32) {
    %c0_i32 = arith.constant 0 : i32
    %c0_i32_0 = arith.constant 0 : i32
    %c0_i32_1 = arith.constant 0 : i32
    return %c0_i32, %c0_i32_0 : i32, i32
  }
  func.func @transform_5(%arg0: i32) -> (i32, i32) {
    %c0_i32 = arith.constant 0 : i32
    %c0_i32_0 = arith.constant 0 : i32
    %c0_i32_1 = arith.constant 0 : i32
    return %c0_i32, %c0_i32_0 : i32, i32
  }
  func.func @transform_6(%arg0: i32) -> (i32, i32) {
    %c0_i32 = arith.constant 0 : i32
    %c0_i32_0 = arith.constant 0 : i32
    %c0_i32_1 = arith.constant 0 : i32
    return %c0_i32, %c0_i32_0 : i32, i32
  }
  func.func @transform_7(%arg0: i32) -> (i32, i32) {
    %c0_i32 = arith.constant 0 : i32
    %c0_i32_0 = arith.constant 0 : i32
    %c0_i32_1 = arith.constant 0 : i32
    return %c0_i32, %c0_i32_0 : i32, i32
  }
  func.func @transform_8(%arg0: i32) -> (i32, i32) {
    %c0_i32 = arith.constant 0 : i32
    %c0_i32_0 = arith.constant 0 : i32
    %c0_i32_1 = arith.constant 0 : i32
    return %c0_i32, %c0_i32_0 : i32, i32
  }
  func.func @transform_9(%arg0: i32) -> (i32, i32, i32) {
    %c0_i32 = arith.constant 0 : i32
    %c0_i32_0 = arith.constant 0 : i32
    %c0_i32_1 = arith.constant 0 : i32
    return %arg0, %c0_i32, %c0_i32_0 : i32, i32, i32
  }
  func.func @transform_10(%arg0: i32) -> (i32, i32, i32) {
    %c0_i32 = arith.constant 0 : i32
    %c0_i32_0 = arith.constant 0 : i32
    %c0_i32_1 = arith.constant 0 : i32
    return %arg0, %c0_i32, %c0_i32_0 : i32, i32, i32
  }
  func.func @transform_11(%arg0: i32) -> (i32, i32, i32) {
    %c0_i32 = arith.constant 0 : i32
    %c0_i32_0 = arith.constant 0 : i32
    %c0_i32_1 = arith.constant 0 : i32
    return %arg0, %c0_i32, %c0_i32_0 : i32, i32, i32
  }
  func.func @transform_12(%arg0: i32) -> (i32, i32, i32) {
    %c0_i32 = arith.constant 0 : i32
    %c0_i32_0 = arith.constant 0 : i32
    %c0_i32_1 = arith.constant 0 : i32
    return %arg0, %c0_i32, %c0_i32_0 : i32, i32, i32
  }
  func.func @transform_13(%arg0: i32) -> (i32, i32, i32) {
    %c0_i32 = arith.constant 0 : i32
    %c0_i32_0 = arith.constant 0 : i32
    %c0_i32_1 = arith.constant 0 : i32
    return %arg0, %c0_i32, %c0_i32_0 : i32, i32, i32
  }
  func.func @transform_14(%arg0: i32) -> (i32, i32, i32) {
    %c0_i32 = arith.constant 0 : i32
    %c0_i32_0 = arith.constant 0 : i32
    %c0_i32_1 = arith.constant 0 : i32
    return %arg0, %c0_i32, %c0_i32_0 : i32, i32, i32
  }
  func.func @transform_15(%arg0: i32) -> (i32, i32, i32) {
    %c0_i32 = arith.constant 0 : i32
    %c0_i32_0 = arith.constant 0 : i32
    %c0_i32_1 = arith.constant 0 : i32
    return %arg0, %c0_i32, %c0_i32_0 : i32, i32, i32
  }
  func.func @transform_16(%arg0: i32) -> (i32, i32, i32) {
    %c0_i32 = arith.constant 0 : i32
    %c0_i32_0 = arith.constant 0 : i32
    %c0_i32_1 = arith.constant 0 : i32
    return %arg0, %c0_i32, %c0_i32_0 : i32, i32, i32
  }
  func.func @transform_17(%arg0: i32) -> (i32, i32, i32) {
    %c0_i32 = arith.constant 0 : i32
    %c0_i32_0 = arith.constant 0 : i32
    %c0_i32_1 = arith.constant 0 : i32
    return %arg0, %c0_i32, %c0_i32_0 : i32, i32, i32
  }
  func.func @transform_18(%arg0: i32) -> (i32, i32, i32) {
    %c0_i32 = arith.constant 0 : i32
    %c0_i32_0 = arith.constant 0 : i32
    %c0_i32_1 = arith.constant 0 : i32
    return %arg0, %c0_i32, %c0_i32_0 : i32, i32, i32
  }
  func.func @transform_19(%arg0: i32) -> (i32, i32, i32) {
    %c0_i32 = arith.constant 0 : i32
    %c0_i32_0 = arith.constant 0 : i32
    %c0_i32_1 = arith.constant 0 : i32
    return %arg0, %c0_i32, %c0_i32_0 : i32, i32, i32
  }
  func.func @transform_20(%arg0: i32) -> (i32, i32, i32) {
    %c0_i32 = arith.constant 0 : i32
    %c0_i32_0 = arith.constant 0 : i32
    %c0_i32_1 = arith.constant 0 : i32
    return %arg0, %c0_i32, %c0_i32_0 : i32, i32, i32
  }
  func.func @transform_21(%arg0: i32) -> (i32, i32, i32) {
    %c0_i32 = arith.constant 0 : i32
    %c0_i32_0 = arith.constant 0 : i32
    %c0_i32_1 = arith.constant 0 : i32
    return %arg0, %c0_i32, %c0_i32_0 : i32, i32, i32
  }
  func.func @transform_22(%arg0: i32) -> (i32, i32, i32) {
    %c0_i32 = arith.constant 0 : i32
    %c0_i32_0 = arith.constant 0 : i32
    %c0_i32_1 = arith.constant 0 : i32
    return %arg0, %c0_i32, %c0_i32_0 : i32, i32, i32
  }
  func.func @transform_23(%arg0: i32) -> (i32, i32, i32) {
    %c0_i32 = arith.constant 0 : i32
    %c0_i32_0 = arith.constant 0 : i32
    %c0_i32_1 = arith.constant 0 : i32
    return %arg0, %c0_i32, %c0_i32_0 : i32, i32, i32
  }
  func.func @transform_24(%arg0: i32) -> (i32, i32, i32) {
    %c0_i32 = arith.constant 0 : i32
    %c0_i32_0 = arith.constant 0 : i32
    %c0_i32_1 = arith.constant 0 : i32
    return %arg0, %c0_i32, %c0_i32_0 : i32, i32, i32
  }
  func.func @transform_25(%arg0: i32) -> (i32, i32, i32) {
    %c0_i32 = arith.constant 0 : i32
    %c0_i32_0 = arith.constant 0 : i32
    %c0_i32_1 = arith.constant 0 : i32
    return %arg0, %c0_i32, %c0_i32_0 : i32, i32, i32
  }
  func.func @transform_26(%arg0: i32) -> (i32, i32, i32) {
    %c0_i32 = arith.constant 0 : i32
    %c0_i32_0 = arith.constant 0 : i32
    %c0_i32_1 = arith.constant 0 : i32
    return %arg0, %c0_i32, %c0_i32_0 : i32, i32, i32
  }
  func.func @transform_27(%arg0: i32) -> (i32, i32) {
    %c0_i32 = arith.constant 0 : i32
    %c0_i32_0 = arith.constant 0 : i32
    return %arg0, %c0_i32 : i32, i32
  }
}

</mosaic_0001>

<sc_bundles>
// kernel: kernel.4.cloned.1.call-start
scs
__scs_entry_jumppad:
0x0: {  	(pc) =	sbr.rel $0x88, $3  }
0x1: {  	(tag) =	ssettag $0x0;
	lr =	simm.s32 $0x1  }
0x2: {  	[smem:$0x3F98] =	sst lr;
	_ =	strace $0xD0000000  }
0x3: {  	_ = 	snop  }
0x4: {  	_ = 	snop  }
0x5: {  	_ = 	snop  }
0x6: {  	_ = 	snop  }
0x7: {  	_ = 	snop  }
__scs_overlays_trampoline_lowered:
0x8: {  	[smem:$0x3FA7] =	sst s0  }
0x9: {  	[smem:$0x3FA8] =	sst s1  }
0xa: {  	[smem:$0x3FA9] =	sst s2  }
0xb: {  	[smem:$0x3FAA] =	sst s3  }
0xc: {  	[smem:$0x3FAB] =	sst s4  }
0xd: {  	[smem:$0x3FAC] =	sst s5  }
0xe: {  	[smem:$0x3FAD] =	sst s6  }
0xf: {  	[smem:$0x3FAE] =	sst s7  }
0x10: {  	[smem:$0x3FAF] =	sst s8  }
0x11: {  	[smem:$0x3FB0] =	sst s9;
	s0 =	simm.s32 @!p0 $0x0  }
0x12: {  	s1 =	sld [smem:$0x3F96];
	s0 =	simm.s32 @p0 $0x1  }
0x13: {  	[smem:$0x3FB1] =	sst s0;
	s0 =	simm.s32 @!p1 $0x0  }
0x14: {  	s2 =	sld [smem:$0x3F95];
	s0 =	simm.s32 @p1 $0x1  }
0x15: {  	[smem:$0x3FB2] =	sst s0;
	s0 =	simm.s32 @!p2 $0x0  }
0x16: {  	s3 =	sld [smem:$0x3FDB];
	s0 =	simm.s32 @p2 $0x1  }
0x17: {  	s4 =	simm.s32 $0x1BF5;
	[smem:$0x3FB4] =	sst s0  }
0x18: {  	s0 =	sld [smem:$0x3F97];
	_ =	swait.ge [sflag:s4], $0x0  }
0x19: {  	s7 =	sld [smem:$0x3F98]  }
0x1a: {  	s8 =	sadd.s32 $0xFFFFE003, lr  }
0x1b: {  	s9 =	sadd.s32 $0xFFFFFEF7, lr;
	s5 =	simm.s32 $0xFFFFFFFF;
	p2 =	slt.u32 s8, $0xFFFFF086  }
0x1c: {  	p1 =	slt.u32 s9, $0xF7A;
	s5 =	simm.s32 @!p2 $0x0  }
0x1d: {  	s5 =	simm.s32 @p1 $0x1;
	p0 =	seq.s32 s7, s2  }
0x1e: {  	s7 =	smul.u32 @!p0 $0xF7A, s2;
	p2 =	seq.s32 @!p0 s5, $0x0  }
0x1f: {  	s9 =	smul.u32 $0xF7A, s1;
	s8 =	simm.s32 @!p0 $0x1BF5;
	p2 =	por !p2, p0  }
0x20: {  	[sflag:s8] =	ssyncset.s32 @!p0 $0xFFFFF086;
	s6 =	sadd.s32 @!p0 s3, s7;
	s7 =	simm.s32 @!p0 $0x108  }
0x21: {  	s3 =	sadd.s32 s3, s9;
	s6 =	sadd.s32 @!p0 $0x88, s6;
	s7 =	simm.s32 @p2 $0x1082  }
0x22: {  	[simem:s7], [sflag:s8] =	dma.local @!p0 [hbm:s6], $0xF7A  }
0x23: {  	s9 =	sor.u32 $0xD0000000, s2;
	s6 =	simm.s32 $0x108;
	_ =	swait.ge @!p0 [sflag:s8], $0x0  }
0x24: {  	s3 =	sadd.s32 $0x88, s3;
	s6 =	simm.s32 @!p1 $0x1082;
	[sflag:s4] =	ssyncset.s32 $0xFFFFF086  }
0x25: {  	[simem:s6], [sflag:s4] =	dma.local [hbm:s3], $0xF7A  }
0x26: {  	[smem:$0x3F98] =	sst s1;
	(tag) =	ssettag s2;
	_ =	strace s9  }
0x27: {  	s1 =	sld [smem:$0x3FA8]  }
0x28: {  	s2 =	sld [smem:$0x3FA9]  }
0x29: {  	s4 =	sld [smem:$0x3FAB]  }
0x2a: {  	p0 =	seq.s32 s5, $0x0;
	s5 =	sld [smem:$0x3FAC]  }
0x2b: {  	s6 =	sld [smem:$0x3FAD]  }
0x2c: {  	s7 =	sld [smem:$0x3FAE]  }
0x2d: {  	s3 =	simm.s32 $0x108;
	s8 =	sld [smem:$0x3FAF]  }
0x2e: {  	s3 =	simm.s32 @!p0 $0x1082;
	s9 =	sld [smem:$0x3FB0]  }
0x2f: {  	lr =	sadd.s32 s0, s3;
	s0 =	sld [smem:$0x3FA7]  }
0x30: {  	s3 =	sld [smem:$0x3FAA]  }
0x31: {  	[smem:$0x3FB3] =	sst s10  }
0x32: {  	s10 =	sld [smem:$0x3FB1];
	_ =	sdelay $0x3  }
0x33: {  	p0 =	seq.s32 s10, $0x1;
	s10 =	sld [smem:$0x3FB3];
	_ =	sdelay $0x3  }
0x34: {  	[smem:$0x3FB3] =	sst s10  }
0x35: {  	s10 =	sld [smem:$0x3FB2];
	_ =	sdelay $0x3  }
0x36: {  	p1 =	seq.s32 s10, $0x1;
	s10 =	sld [smem:$0x3FB3];
	_ =	sdelay $0x3  }
0x37: {  	[smem:$0x3FB3] =	sst s10  }
0x38: {  	s10 =	sld [smem:$0x3FB4]  }
0x39: {  	_ = 	snop;
	(pc) =	sbr.ind lr, $3  }
0x3a: {  	_ = 	snop  }
0x3b: {  	_ = 	snop  }
0x3c: {  	p2 =	seq.s32 s10, $0x1;
	s10 =	sld [smem:$0x3FB3]  }
0x3d: {  	_ =	shalt  }
0x3e: {  	_ =	shalt  }
0x3f: {  	_ =	shalt  }
0x40: {  	_ =	shalt  }
0x41: {  	_ =	shalt  }
0x42: {  	_ =	shalt  }
0x43: {  	_ =	shalt  }
0x44: {  	_ =	shalt  }
0x45: {  	_ =	shalt  }
0x46: {  	_ =	shalt  }
0x47: {  	_ =	shalt  }
0x48: {  	_ =	shalt  }
0x49: {  	_ =	shalt  }
0x4a: {  	_ =	shalt  }
0x4b: {  	_ =	shalt  }
0x4c: {  	_ =	shalt  }
0x4d: {  	_ =	shalt  }
0x4e: {  	_ =	shalt  }
0x4f: {  	_ =	shalt  }
0x50: {  	_ =	shalt  }
0x51: {  	_ =	shalt  }
0x52: {  	_ =	shalt  }
0x53: {  	_ =	shalt  }
0x54: {  	_ =	shalt  }
0x55: {  	_ =	shalt  }
0x56: {  	_ =	shalt  }
0x57: {  	_ =	shalt  }
0x58: {  	_ =	shalt  }
0x59: {  	_ =	shalt  }
0x5a: {  	_ =	shalt  }
0x5b: {  	_ =	shalt  }
0x5c: {  	_ =	shalt  }
0x5d: {  	_ =	shalt  }
0x5e: {  	_ =	shalt  }
0x5f: {  	_ =	shalt  }
0x60: {  	_ =	shalt  }
0x61: {  	_ =	shalt  }
0x62: {  	_ =	shalt  }
0x63: {  	_ =	shalt  }
0x64: {  	_ =	shalt  }
0x65: {  	_ =	shalt  }
0x66: {  	_ =	shalt  }
0x67: {  	_ =	shalt  }
0x68: {  	_ =	shalt  }
0x69: {  	_ =	shalt  }
0x6a: {  	_ =	shalt  }
0x6b: {  	_ =	shalt  }
0x6c: {  	_ =	shalt  }
0x6d: {  	_ =	shalt  }
0x6e: {  	_ =	shalt  }
0x6f: {  	_ =	shalt  }
0x70: {  	_ =	shalt  }
0x71: {  	_ =	shalt  }
0x72: {  	_ =	shalt  }
0x73: {  	_ =	shalt  }
0x74: {  	_ =	shalt  }
0x75: {  	_ =	shalt  }
0x76: {  	_ =	shalt  }
0x77: {  	_ =	shalt  }
0x78: {  	_ =	shalt  }
0x79: {  	_ =	shalt  }
0x7a: {  	_ =	shalt  }
0x7b: {  	_ =	shalt  }
0x7c: {  	_ =	shalt  }
0x7d: {  	_ =	shalt  }
0x7e: {  	_ =	shalt  }
0x7f: {  	_ =	shalt  }
0x80: {  	_ =	shalt  }
0x81: {  	_ =	shalt  }
0x82: {  	_ =	shalt  }
0x83: {  	_ =	shalt  }
0x84: {  	_ =	shalt  }
0x85: {  	_ =	shalt  }
0x86: {  	_ =	shalt  }
0x87: {  	_ =	shalt  }
.Lfunc_end0:
.L_simem_size_0:
called_computation.1_lowered:
.L_overlay_start_0:
0x88: {  	s2 =	sld [smem:$0x3FD9]  }
0x89: {  	s3 =	sld [smem:$0x3FFE];
	_ =	sdelay $0x1  }
0x8a: {  	s1 =	srdreg.scid  }
0x8b: {  	s0 =	sand.u32 $0x1, s1  }
0x8c: {  	s17 =	sshll.u32 s0, $0xA;
	s2 =	sadd.s32 s3, s2  }
0x8d: {  	s2 =	sadd.s32 s2, s17  }
0x8e: {  	[smem:$0x3FBF] =	sst s2  }
0x8f: {  	_ = 	snop  }
0x90: {  	s2 =	sld [smem:$0x3FD0];
	(tm) =	ssettm $0x1  }
0x91: {  	s18 =	sld [smem:$0x3FFB];
	_ =	sdelay $0x3  }
0x92: {  	_ =	strace s18  }
0x93: {  	s3 =	sld [smem:$0x3FFC];
	_ =	sdelay $0x3  }
0x94: {  	_ =	strace s3  }
0x95: {  	s3 =	sld [smem:$0x3FFD];
	_ =	sdelay $0x3  }
0x96: {  	_ =	strace s3  }
0x97: {  	_ =	strace $0x8FFFFFFF  }
0x98: {  	s19 =	sld [smem:$0x3FDB];
	_ =	sdelay $0x1  }
0x99: {  	s4 =	simm.s32 $_scs_section_size  }
0x9a: {  	s5 =	simm.s32 $_size__tile_overlayer_lowered;
	s6 =	simm.s32 $_tile_overlayer_lowered  }
0x9b: {  	s22 =	simm.s32 $0x1BFF;
	s21 =	sshll.u32 s6, $0x1;
	s3 =	sadd.s32 s4, s19  }
0x9c: {  	s7 =	simm.s32 $0x0;
	s20 =	sshll.u32 s5, $0x1;
	s5 =	sadd.s32 s21, s3  }
0x9d: {  	[timem:s7], [sflag:s22] =	dma.local [hbm:s5], s20  }
0x9e: {  	_ =	swait.ge [sflag:s22], s20  }
0x9f: {  	s4 =	ssub.s32 $0x0, s20;
	[sflag:s22] =	ssyncset.done $0x0  }
0xa0: {  	[sflag:s22] =	ssyncadd.s32 s4;
	_ =	sdelay $0x1  }
0xa1: {  	s23 =	simm.s32 $0x1B8B  }
0xa2: {  	_ =	swait.ge [sflag:s23], $0x1  }
0xa3: {  	[sflag:s23] =	ssyncset.done $0x0  }
0xa4: {  	s25 =	simm.s32 $0x1B8E;
	s24 =	sld [smem:$0x3FFE];
	[sflag:s23] =	ssyncadd.s32 $0xFFFFFFFF  }
0xa5: {  	s26 =	simm.s32 $execute0_lowered;
	[smem:$0x3FD2] =	sst s25  }
0xa6: {  	s5 =	sshll.u32 s26, $0x1;
	_ =	strace $0x80000049;
	[dreg:$0x1] =	wrdreg $0xFFFFFFFF  }
0xa7: {  	s28 =	simm.s32 $_size_execute0_lowered;
	s3 =	sadd.s32 s3, s5;
	[dreg:$0x0] =	wrdreg $0x0  }
0xa8: {  	s5 =	sshll.u32 s28, $0x1;
	[dreg:$0x2] =	wrdreg s3  }
0xa9: {  	[dreg:$0x3] =	wrdreg s5  }
0xaa: {  	[dreg:$0x4] =	wrdreg $0xC0  }
0xab: {  	_ =	task [dreg:s7], $0x5FFFF  }
0xac: {  	[dreg:$0x1] =	wrdreg $0xFFFFFFFF  }
0xad: {  	[dreg:$0x0] =	wrdreg $0x60  }
0xae: {  	[dreg:$0x2] =	wrdreg s24  }
0xaf: {  	[dreg:$0x3] =	wrdreg s2  }
0xb0: {  	[dreg:$0x4] =	wrdreg $0xD8000  }
0xb1: {  	[dreg:$0x5] =	wrdreg $0xF0700  }
0xb2: {  	[dreg:$0x6] =	wrdreg $0x108E00  }
0xb3: {  	[dreg:$0x7] =	wrdreg $0x121500  }
0xb4: {  	[dreg:$0x8] =	wrdreg $0x139C00  }
0xb5: {  	[dreg:$0x9] =	wrdreg $0x9  }
0xb6: {  	_ =	task.clear_ibuf [dreg:s7], $0xAFFFF;
	_ =	strace $0x90000049  }
0xb7: {  	s29 =	simm.s32 $0x9;
	_ =	strace $0x8000004B  }
0xb8: {  	_ =	swait.ge [sflag:s29], $0x1  }
0xb9: {  	[sflag:s29] =	ssyncadd.s32 $0xFFFFFFFF  }
0xba: {  	_ =	strace $0x9000004B  }
0xbb: {  	_ =	sfence  }
0xbc: {  	s30 =	sld [smem:$0x0];
	_ =	sdelay $0x2  }
0xbd: {  	s31 =	sshll.u32 s1, $0xD;
	s1 =	sshrl.u32 s1, $0x2  }
0xbe: {  	s3 =	sand.u32 $0x4000, s31;
	s1 =	sadd.s32 s1, s30  }
0xbf: {  	s0 =	sor.u32 s3, s0;
	s1 =	sshll.u32 s1, $0x11  }
0xc0: {  	s0 =	sor.u32 s1, s0  }
0xc1: {  	s0 =	sadd.s32 $0x8F2B, s0  }
0xc2: {  	[sflag:s0] =	ssyncadd.remote.s32 $0x1  }
0xc3: {  	_ =	sfence.sel $0xFFFF  }
0xc4: {  	[dreg:$0x0] =	wrdreg $0xFFFFFFFF;
	(pc) =	sbr.abs _section_cstart, $3  }
0xc5: {  	[dreg:$0x1] =	wrdreg $0xFFFFFFFF  }
0xc6: {  	_ =	task.clear_ibuf [dreg:s7], $0x2FFFF;
	_ =	strace $0x9FFFFFFF  }
0xc7: {  	(tm) =	ssettm $0x7FFFFFFF  }
tec
execute0_lowered:
.L_overlay_start_1:
0x0: {  	(tag) =	ssettag $0x1  }
0x1: {  	s10 =	rddreg [dreg:$0x0]  }
0x2: {  	s1 =	rddreg [dreg:$0x1]  }
0x3: {  	s2 =	rddreg [dreg:$0x2]  }
0x4: {  	s3 =	rddreg [dreg:$0x3]  }
0x5: {  	s4 =	rddreg [dreg:$0x4]  }
0x6: {  	s6 =	rddreg [dreg:$0x5]  }
0x7: {  	s7 =	rddreg [dreg:$0x6]  }
0x8: {  	s0 =	srdreg.scid;
	s5 =	stileid.u32;
	s8 =	simm.s32 $0x0  }
0x9: {  	s11 =	sand.u32 $0x1, s0;
	s12 =	smul.u32 $0x1870, s5;
	[smem:$0x7FF] =	sst s8  }
0xa: {  	s9 =	sadd.s32 $0x2200, s10;
	s14 =	sand.u32 $0x3, s5;
	s18 =	sshrl.u32 s5, $0x2  }
0xb: {  	s20 =	sadd.s32 $0xC6800, s10;
	s22 =	sadd.s32 $0xC5800, s10;
	s23 =	sadd.s32 $0xC6600, s10  }
0xc: {  	s0 =	smul.u32 $0x61C00, s11;
	_ =	strace $0x8000004A;
	[dreg:$0x8] =	wrdreg s20  }
0xd: {  	s13 =	smul.u32 $0x18700, s11;
	s15 =	sshll.u32 s11, $0x2;
	[dreg:$0x9] =	wrdreg s22  }
0xe: {  	[dreg:$0xa] =	wrdreg s23;
	s24 =	ssub.s32 $0x2, s11;
	s19 =	sor.u32 s18, s15  }
0xf: {  	s25 =	sshrl.u32 s24, $0x1;
	s16 =	sadd.s32 s12, s0;
	s0 =	smul.u32 $0x61C0, s14  }
0x10: {  	s20 =	sadd.s32 $0x7D0, s12;
	s14 =	smul.u32 $0x18700, s19;
	s13 =	sadd.s32 s12, s13  }
0x11: {  	s26 =	sadd.s32 s20, s2;
	s21 =	sshrl.u32 s16, $0x3;
	s13 =	sshrl.u32 s13, $0x3  }
0x12: {  	[dreg:$0xd] =	wrdreg s26;
	s26 =	sadd.s32 s20, s6;
	s19 =	sadd.s32 s21, s10  }
0x13: {  	s14 =	sadd.s32 s0, s14;
	s13 =	sadd.s32 s13, s10;
	s21 =	sadd.s32 $0xFA0, s12  }
0x14: {  	[dreg:$0x10] =	wrdreg s26;
	s14 =	sshrl.u32 s14, $0x3;
	s26 =	sadd.s32 s21, s4  }
0x15: {  	s13 =	sadd.s32 $0xF7A00, s13;
	s10 =	sadd.s32 s14, s10;
	[dreg:$0x14] =	wrdreg s26  }
0x16: {  	s14 =	ssub.s32 s24, s25;
	s24 =	sadd.s32 s20, s3;
	[smem:$0x7F6] =	sst s13  }
0x17: {  	s25 =	sadd.s32 s20, s4;
	[dreg:$0xe] =	wrdreg s24  }
0x18: {  	s22 =	sadd.s32 $0x1770, s12;
	s20 =	sadd.s32 s20, s7;
	[dreg:$0xf] =	wrdreg s25  }
0x19: {  	s15 =	sadd.s32 s12, s2;
	s26 =	sadd.s32 s22, s4;
	[dreg:$0x11] =	wrdreg s20  }
0x1a: {  	s13 =	smov.u32 s15;
	[dreg:$0x19] =	wrdreg s26  }
0x1b: {  	s24 =	sadd.s32 s21, s2;
	[dreg:$0xb] =	wrdreg s13  }
0x1c: {  	s28 =	simm.s32 $0x3E80;
	s25 =	sadd.s32 s21, s3;
	[dreg:$0x12] =	wrdreg s24  }
0x1d: {  	s29 =	simm.s32 $0x4650;
	s20 =	sadd.s32 s21, s6;
	[dreg:$0x13] =	wrdreg s25  }
0x1e: {  	s31 =	simm.s32 $0x3;
	s21 =	sadd.s32 s21, s7;
	[dreg:$0x15] =	wrdreg s20  }
0x1f: {  	s11 =	smul.u32 $0x186A00, s11;
	s10 =	sadd.s32 $0xDF200, s10;
	[dreg:$0x16] =	wrdreg s21  }
0x20: {  	s17 =	sadd.s32 s12, s4;
	s14 =	smax.u32 s14, $0x1;
	[smem:$0x7F7] =	sst s10  }
0x21: {  	s30 =	sadd.s32 s12, s6;
	s24 =	sadd.s32 s22, s2;
	[smem:$0x7F8] =	sst s14  }
0x22: {  	s23 =	sadd.s32 s12, s7;
	s25 =	sadd.s32 s22, s3;
	[dreg:$0x17] =	wrdreg s24  }
0x23: {  	s16 =	sadd.s32 s12, s3;
	s20 =	sadd.s32 s22, s6;
	[dreg:$0x18] =	wrdreg s25  }
0x24: {  	s18 =	smul.u32 $0x1F40, s18;
	s14 =	smov.u32 s16;
	[dreg:$0x1a] =	wrdreg s20  }
0x25: {  	s21 =	sshrl.u32 s11, $0x3;
	s25 =	sadd.s32 s22, s7;
	[dreg:$0xc] =	wrdreg s14  }
0x26: {  	s26 =	sadd.s32 $0x61A80, s21;
	s24 =	sadd.s32 s1, s21;
	[dreg:$0x1b] =	wrdreg s25  }
0x27: {  	s18 =	sshrl.u32 s18, $0x2;
	s22 =	sadd.s32 s9, s26;
	[dreg:$0x1c] =	wrdreg s24  }
0x28: {  	s12 =	sadd.s32 $0x61B7A, s21;
	s20 =	sadd.s32 s1, s26;
	[dreg:$0x1d] =	wrdreg s22  }
0x29: {  	v0 =	vmov s0;
	s0 =	simm.s32 $0x2;
	s25 =	sadd.s32 s9, s12;
	[dreg:$0x1e] =	wrdreg s20  }
0x2a: {  	s15 =	smov.u32 s23;
	s12 =	sadd.s32 s1, s12;
	[dreg:$0x1f] =	wrdreg s25  }
0x2b: {  	s10 =	simm.s32 $0x4;
	s26 =	sadd.s32 $0xC6A00, s19;
	[smem:$0x7F1] =	sst s12  }
0x2c: {  	s16 =	simm.s32 $0x0;
	s23 =	sadd.s32 $0xFA, s24;
	[smem:$0x7F2] =	sst s26  }
0x2d: {  	s21 =	sadd.s32 $0xFA0, s11;
	s20 =	sadd.s32 $0xC9AE0, s19;
	[smem:$0x7FB] =	sst s23  }
0x2e: {  	s12 =	sadd.s32 $0xFA0, s18;
	s25 =	sadd.s32 $0xCCBC0, s19;
	[smem:$0x7F3] =	sst s20  }
0x2f: {  	s18 =	sadd.s32 $0x2EE0, s18;
	s26 =	sadd.s32 $0xCFCA0, s19;
	[smem:$0x7F4] =	sst s25  }
0x30: {  	s22 =	sadd.s32 $0x1770, s11;
	s19 =	sadd.s32 $0xC3500, s24;
	[smem:$0x7F5] =	sst s26  }
.Ltmp0:
0x31: {  	[smem:$0x7F9] =	sst s19;
	s20 =	sadd.s32 $0x124F80, s24;
	(pc) =	sbr.rel .LBB2_1-.Ltmp0, $4  }
0x32: {  	s23 =	simm.s32 $0x7630;
	s25 =	sadd.s32 $0xC35FA, s24;
	[smem:$0x7FA] =	sst s20  }
0x33: {  	s26 =	sadd.s32 $0x12507A, s24;
	s24 =	simm.s32 $0x7D0;
	[smem:$0x7FC] =	sst s25  }
0x34: {  	v3 =	vlaneseq.u32;
	v1 =	vmov s12;
	s12 =	smov.u32 s30;
	s30 =	simm.s32 $0x1;
	[smem:$0x7FD] =	sst s26  }
0x35: {  	v4 =	vimm.f32 $0.0e+00;
	v3 =	vor.u32 $0x61C0, v3;
	v2 =	vmov s18;
	s20 =	simm.s32 $0x6;
	s25 =	simm.s32 $0x2EE0;
	s26 =	simm.s32 $0x36B0  }
.LBB2_14:
0x36: {  	[bflag:$0x0] =	sbarrier.arrive $0xFFFF  }
0x37: {  	s16 =	simm.s32 $0x5DC0;
	s13 =	rddreg [dreg:$0xb]  }
0x38: {  	[tilespmem:s16], [sflag:$0x6] =	stream.linear.gather [spmem:s13], $0x1870, $0x38;
	[tilespmem:$0x15230] =	vst v63  }
0x39: {  	_ =	swait.ge [sflag:s20], $0x1870  }
0x3a: {  	s11 =	sld [smem:$0x7F2]  }
0x3b: {  	[sflag:s20] =	ssyncset.done $0x0  }
0x3c: {  	[sflag:s20] =	ssyncadd.s32 $0xFFFFE790  }
0x3d: {  	[hbm4b:s11+s8] =	stream.linear.scatter [tilespmem:s16], [sflag:$0x6], $0x1870, $0x38;
	[tilespmem:$0x15230] =	vst v63  }
0x3e: {  	_ =	swait.ge [sflag:s20], $0x1870  }
0x3f: {  	[sflag:s20] =	ssyncset.done $0x0  }
0x40: {  	s14 =	rddreg [dreg:$0xc];
	[sflag:s20] =	ssyncadd.s32 $0xFFFFE790  }
0x41: {  	[tilespmem:s16], [sflag:$0x6] =	stream.linear.gather [spmem:s14], $0x1870, $0x38;
	[tilespmem:$0x15230] =	vst v63  }
0x42: {  	_ =	swait.ge [sflag:s20], $0x1870  }
0x43: {  	s18 =	sld [smem:$0x7F3]  }
0x44: {  	[sflag:s20] =	ssyncset.done $0x0  }
0x45: {  	[sflag:s20] =	ssyncadd.s32 $0xFFFFE790  }
0x46: {  	[hbm4b:s18+s8] =	stream.linear.scatter [tilespmem:s16], [sflag:$0x6], $0x1870, $0x38;
	[tilespmem:$0x15230] =	vst v63  }
0x47: {  	_ =	swait.ge [sflag:s20], $0x1870  }
0x48: {  	[sflag:s20] =	ssyncset.done $0x0  }
0x49: {  	[sflag:s20] =	ssyncadd.s32 $0xFFFFE790  }
0x4a: {  	[tilespmem:s16], [sflag:$0x6] =	stream.linear.gather [spmem:s17], $0x1870, $0x38;
	[tilespmem:$0x15230] =	vst v63  }
0x4b: {  	_ =	swait.ge [sflag:s20], $0x1870  }
0x4c: {  	s19 =	sld [smem:$0x7F4]  }
0x4d: {  	[sflag:s20] =	ssyncset.done $0x0  }
0x4e: {  	[sflag:s20] =	ssyncadd.s32 $0xFFFFE790  }
0x4f: {  	[hbm4b:s19+s8] =	stream.linear.scatter [tilespmem:s16], [sflag:$0x6], $0x1870, $0x38;
	[tilespmem:$0x15230] =	vst v63  }
0x50: {  	_ =	swait.ge [sflag:s20], $0x1870  }
0x51: {  	[sflag:s20] =	ssyncset.done $0x0  }
0x52: {  	[sflag:s20] =	ssyncadd.s32 $0xFFFFE790  }
0x53: {  	[tilespmem:s16], [sflag:$0x6] =	stream.linear.gather [spmem:s12], $0x1870, $0x38;
	[tilespmem:$0x15230] =	vst v63  }
0x54: {  	_ =	swait.ge [sflag:s20], $0x1870  }
0x55: {  	s18 =	sld [smem:$0x7F5]  }
0x56: {  	[sflag:s20] =	ssyncset.done $0x0  }
0x57: {  	[sflag:s20] =	ssyncadd.s32 $0xFFFFE790  }
0x58: {  	[hbm4b:s18+s8] =	stream.linear.scatter [tilespmem:s16], [sflag:$0x6], $0x1870, $0x38;
	[tilespmem:$0x15230] =	vst v63  }
0x59: {  	_ =	swait.ge [sflag:s20], $0x1870  }
0x5a: {  	[sflag:s20] =	ssyncset.done $0x0  }
0x5b: {  	[sflag:s20] =	ssyncadd.s32 $0xFFFFE790  }
0x5c: {  	[tilespmem:s16], [sflag:$0x6] =	stream.linear.gather [spmem:s15], $0x1870, $0x38;
	[tilespmem:$0x15230] =	vst v63  }
0x5d: {  	_ =	swait.ge [sflag:s20], $0x1870  }
0x5e: {  	s19 =	sld [smem:$0x7F6]  }
0x5f: {  	[sflag:s20] =	ssyncset.done $0x0  }
0x60: {  	[sflag:s20] =	ssyncadd.s32 $0xFFFFE790  }
0x61: {  	[hbm4b:s19+s8] =	stream.linear.scatter [tilespmem:s16], [sflag:$0x6], $0x1870, $0x38;
	[tilespmem:$0x15230] =	vst v63  }
0x62: {  	_ =	swait.ge [sflag:s20], $0x1870  }
0x63: {  	s16 =	sld [smem:$0x7F7]  }
0x64: {  	[sflag:s20] =	ssyncset.done $0x0  }
0x65: {  	[sflag:s20] =	ssyncadd.s32 $0xFFFFE790  }
0x66: {  	[hbm4b:s16+s8] =	stream.linear.scatter [tilespmem:s23], [sflag:$0x6], $0x61C0, $0x38;
	[tilespmem:$0x15230] =	vst v63  }
0x67: {  	_ =	swait.ge [sflag:s20], $0x61C0  }
0x68: {  	s18 =	sld [smem:$0x7F0]  }
0x69: {  	s19 =	sld [smem:$0x7F8];
	_ =	sdelay $0x1  }
0x6a: {  	s16 =	sadd.s32 $0x1, s18  }
0x6b: {  	p0 =	sne.s32 s16, s19  }
.Ltmp1:
0x6c: {  	_ = 	snop;
	(pc) =	sbr.rel @!p0 .LBB2_15-.Ltmp1, $3  }
0x6d: {  	_ =	sdelay $0x1  }
0x6e: {  	[sflag:s20] =	ssyncset.done $0x0  }
0x6f: {  	[sflag:s20] =	ssyncadd.s32 $0xFFFF9E40  }
.LBB2_1:
0x70: {  	[smem:$0x7F0] =	sst s16  }
0x71: {  	s11 =	rddreg [dreg:$0x8];
	s16 =	simm.s32 $0x55F0  }
0x72: {  	[tilespmem:s16], [sflag:$0x6] =	stream.linear.gather [hbm4b:s11+s8], $0x7D0, $0x38;
	[tilespmem:$0x15230] =	vst v63  }
0x73: {  	_ =	swait.ge [sflag:s20], $0x7D0  }
0x74: {  	[sflag:s20] =	ssyncset.done $0x0  }
0x75: {  	[sflag:s20] =	ssyncadd.s32 $0xFFFFF830  }
0x76: {  	[spmem:s13] =	stream.linear.scatter [tilespmem:s16], [sflag:$0x6], $0x7D0, $0x38;
	[tilespmem:$0x15230] =	vst v63  }
0x77: {  	_ =	swait.ge [sflag:s20], $0x7D0  }
0x78: {  	[sflag:s20] =	ssyncset.done $0x0  }
0x79: {  	s18 =	rddreg [dreg:$0xd];
	[sflag:s20] =	ssyncadd.s32 $0xFFFFF830  }
0x7a: {  	[spmem:s18] =	stream.linear.scatter [tilespmem:s16], [sflag:$0x6], $0x7D0, $0x38;
	[tilespmem:$0x15230] =	vst v63  }
0x7b: {  	_ =	swait.ge [sflag:s20], $0x7D0  }
0x7c: {  	[sflag:s20] =	ssyncset.done $0x0  }
0x7d: {  	s19 =	rddreg [dreg:$0x12];
	[sflag:s20] =	ssyncadd.s32 $0xFFFFF830  }
0x7e: {  	[spmem:s19] =	stream.linear.scatter [tilespmem:s16], [sflag:$0x6], $0x7D0, $0x38;
	[tilespmem:$0x15230] =	vst v63  }
0x7f: {  	_ =	swait.ge [sflag:s20], $0x7D0  }
0x80: {  	[sflag:s20] =	ssyncset.done $0x0  }
0x81: {  	s13 =	rddreg [dreg:$0x17];
	[sflag:s20] =	ssyncadd.s32 $0xFFFFF830  }
0x82: {  	[spmem:s13] =	stream.linear.scatter [tilespmem:s16], [sflag:$0x6], $0x100, $0x38;
	[tilespmem:$0x15230] =	vst v63  }
0x83: {  	_ =	swait.ge [sflag:s20], $0x100  }
0x84: {  	[sflag:s20] =	ssyncset.done $0x0  }
0x85: {  	[sflag:s20] =	ssyncadd.s32 $0xFFFFFF00  }
0x86: {  	[spmem:s14] =	stream.linear.scatter [tilespmem:s16], [sflag:$0x6], $0x7D0, $0x38;
	[tilespmem:$0x15230] =	vst v63  }
0x87: {  	_ =	swait.ge [sflag:s20], $0x7D0  }
0x88: {  	[sflag:s20] =	ssyncset.done $0x0  }
0x89: {  	s14 =	rddreg [dreg:$0xe];
	[sflag:s20] =	ssyncadd.s32 $0xFFFFF830  }
0x8a: {  	[spmem:s14] =	stream.linear.scatter [tilespmem:s16], [sflag:$0x6], $0x7D0, $0x38;
	[tilespmem:$0x15230] =	vst v63  }
0x8b: {  	_ =	swait.ge [sflag:s20], $0x7D0  }
0x8c: {  	[sflag:s20] =	ssyncset.done $0x0  }
0x8d: {  	s18 =	rddreg [dreg:$0x13];
	[sflag:s20] =	ssyncadd.s32 $0xFFFFF830  }
0x8e: {  	[spmem:s18] =	stream.linear.scatter [tilespmem:s16], [sflag:$0x6], $0x7D0, $0x38;
	[tilespmem:$0x15230] =	vst v63  }
0x8f: {  	_ =	swait.ge [sflag:s20], $0x7D0  }
0x90: {  	[sflag:s20] =	ssyncset.done $0x0  }
0x91: {  	s19 =	rddreg [dreg:$0x18];
	[sflag:s20] =	ssyncadd.s32 $0xFFFFF830  }
0x92: {  	[spmem:s19] =	stream.linear.scatter [tilespmem:s16], [sflag:$0x6], $0x100, $0x38;
	[tilespmem:$0x15230] =	vst v63  }
0x93: {  	_ =	swait.ge [sflag:s20], $0x100  }
0x94: {  	[sflag:s20] =	ssyncset.done $0x0  }
0x95: {  	[sflag:s20] =	ssyncadd.s32 $0xFFFFFF00  }
0x96: {  	[spmem:s17] =	stream.linear.scatter [tilespmem:s16], [sflag:$0x6], $0x7D0, $0x38;
	[tilespmem:$0x15230] =	vst v63  }
0x97: {  	_ =	swait.ge [sflag:s20], $0x7D0  }
0x98: {  	[sflag:s20] =	ssyncset.done $0x0  }
0x99: {  	s13 =	rddreg [dreg:$0xf];
	[sflag:s20] =	ssyncadd.s32 $0xFFFFF830  }
0x9a: {  	[spmem:s13] =	stream.linear.scatter [tilespmem:s16], [sflag:$0x6], $0x7D0, $0x38;
	[tilespmem:$0x15230] =	vst v63  }
0x9b: {  	_ =	swait.ge [sflag:s20], $0x7D0  }
0x9c: {  	[sflag:s20] =	ssyncset.done $0x0  }
0x9d: {  	s14 =	rddreg [dreg:$0x14];
	[sflag:s20] =	ssyncadd.s32 $0xFFFFF830  }
0x9e: {  	[spmem:s14] =	stream.linear.scatter [tilespmem:s16], [sflag:$0x6], $0x7D0, $0x38;
	[tilespmem:$0x15230] =	vst v63  }
0x9f: {  	_ =	swait.ge [sflag:s20], $0x7D0  }
0xa0: {  	[sflag:s20] =	ssyncset.done $0x0  }
0xa1: {  	s18 =	rddreg [dreg:$0x19];
	[sflag:s20] =	ssyncadd.s32 $0xFFFFF830  }
0xa2: {  	[spmem:s18] =	stream.linear.scatter [tilespmem:s16], [sflag:$0x6], $0x100, $0x38;
	[tilespmem:$0x15230] =	vst v63  }
0xa3: {  	_ =	swait.ge [sflag:s20], $0x100  }
0xa4: {  	[sflag:s20] =	ssyncset.done $0x0  }
0xa5: {  	[sflag:s20] =	ssyncadd.s32 $0xFFFFFF00  }
0xa6: {  	[spmem:s12] =	stream.linear.scatter [tilespmem:s16], [sflag:$0x6], $0x7D0, $0x38;
	[tilespmem:$0x15230] =	vst v63  }
0xa7: {  	_ =	swait.ge [sflag:s20], $0x7D0  }
0xa8: {  	[sflag:s20] =	ssyncset.done $0x0  }
0xa9: {  	s19 =	rddreg [dreg:$0x10];
	[sflag:s20] =	ssyncadd.s32 $0xFFFFF830  }
0xaa: {  	[spmem:s19] =	stream.linear.scatter [tilespmem:s16], [sflag:$0x6], $0x7D0, $0x38;
	[tilespmem:$0x15230] =	vst v63  }
0xab: {  	_ =	swait.ge [sflag:s20], $0x7D0  }
0xac: {  	[sflag:s20] =	ssyncset.done $0x0  }
0xad: {  	s13 =	rddreg [dreg:$0x15];
	[sflag:s20] =	ssyncadd.s32 $0xFFFFF830  }
0xae: {  	[spmem:s13] =	stream.linear.scatter [tilespmem:s16], [sflag:$0x6], $0x7D0, $0x38;
	[tilespmem:$0x15230] =	vst v63  }
0xaf: {  	_ =	swait.ge [sflag:s20], $0x7D0  }
0xb0: {  	[sflag:s20] =	ssyncset.done $0x0  }
0xb1: {  	s14 =	rddreg [dreg:$0x1a];
	[sflag:s20] =	ssyncadd.s32 $0xFFFFF830  }
0xb2: {  	[spmem:s14] =	stream.linear.scatter [tilespmem:s16], [sflag:$0x6], $0x100, $0x38;
	[tilespmem:$0x15230] =	vst v63  }
0xb3: {  	_ =	swait.ge [sflag:s20], $0x100  }
0xb4: {  	[sflag:s20] =	ssyncset.done $0x0  }
0xb5: {  	[sflag:s20] =	ssyncadd.s32 $0xFFFFFF00  }
0xb6: {  	[spmem:s15] =	stream.linear.scatter [tilespmem:s16], [sflag:$0x6], $0x7D0, $0x38;
	[tilespmem:$0x15230] =	vst v63  }
0xb7: {  	_ =	swait.ge [sflag:s20], $0x7D0  }
0xb8: {  	[sflag:s20] =	ssyncset.done $0x0  }
0xb9: {  	s18 =	rddreg [dreg:$0x11];
	[sflag:s20] =	ssyncadd.s32 $0xFFFFF830  }
0xba: {  	[spmem:s18] =	stream.linear.scatter [tilespmem:s16], [sflag:$0x6], $0x7D0, $0x38;
	[tilespmem:$0x15230] =	vst v63  }
0xbb: {  	_ =	swait.ge [sflag:s20], $0x7D0  }
0xbc: {  	[sflag:s20] =	ssyncset.done $0x0  }
0xbd: {  	s13 =	rddreg [dreg:$0x16];
	[sflag:s20] =	ssyncadd.s32 $0xFFFFF830  }
0xbe: {  	[spmem:s13] =	stream.linear.scatter [tilespmem:s16], [sflag:$0x6], $0x7D0, $0x38;
	[tilespmem:$0x15230] =	vst v63  }
0xbf: {  	_ =	swait.ge [sflag:s20], $0x7D0  }
0xc0: {  	[sflag:s20] =	ssyncset.done $0x0  }
0xc1: {  	s14 =	rddreg [dreg:$0x1b];
	[sflag:s20] =	ssyncadd.s32 $0xFFFFF830  }
0xc2: {  	[spmem:s14] =	stream.linear.scatter [tilespmem:s16], [sflag:$0x6], $0x100, $0x38;
	[tilespmem:$0x15230] =	vst v63  }
0xc3: {  	_ =	swait.ge [sflag:s20], $0x100  }
0xc4: {  	[sflag:s20] =	ssyncset.done $0x0  }
0xc5: {  	s19 =	smov.u32 s15;
	s15 =	rddreg [dreg:$0x9];
	[sflag:s20] =	ssyncadd.s32 $0xFFFFFF00  }
0xc6: {  	[tilespmem:s23], [sflag:$0x6] =	stream.linear.gather [hbm4b:s15+s8], $0x61D0, $0x38;
	[tilespmem:$0x15230] =	vst v63  }
0xc7: {  	_ =	swait.ge [sflag:s20], $0x61D0  }
0xc8: {  	[sflag:s20] =	ssyncset.done $0x0  }
0xc9: {  	s18 =	simm.s32 $0x4E20;
	s16 =	rddreg [dreg:$0xa];
	[sflag:s20] =	ssyncadd.s32 $0xFFFF9E30  }
0xca: {  	[tilespmem:s18], [sflag:$0x6] =	stream.linear.gather [hbm4b:s16+s8], $0x7D0, $0x38;
	[tilespmem:$0x15230] =	vst v63  }
0xcb: {  	_ =	swait.ge [sflag:s20], $0x7D0  }
0xcc: {  	[sflag:s20] =	ssyncset.done $0x0  }
0xcd: {  	[sflag:s20] =	ssyncadd.s32 $0xFFFFF830  }
0xce: {  	[bflag:$0x0] =	sbarrier.arrive $0xFFFF  }
0xcf: {  	s13 =	rddreg [dreg:$0x1d]  }
0xd0: {  	s14 =	rddreg [dreg:$0x1c]  }
0xd1: {  	[tilespmem:s8], [sflag:$0x1] =	stream.linear.gather [hbm4b:s13+s8], $0x7D0, $0x38;
	[tilespmem:$0x15230] =	vst v63  }
0xd2: {  	s15 =	simm.s32 $0xFA0;
	s16 =	rddreg [dreg:$0x1e]  }
0xd3: {  	[tilespmem:s15], [sflag:$0x3] =	stream.linear.gather [hbm4b:s14+s8], $0x7D0, $0x38;
	[tilespmem:$0x15230] =	vst v63  }
0xd4: {  	s18 =	simm.s32 $0x1770;
	s14 =	sld [smem:$0x7F9]  }
0xd5: {  	[tilespmem:s18], [sflag:$0x3] =	stream.linear.gather [hbm4b:s16+s8], $0x7D0, $0x38;
	[tilespmem:$0x15230] =	vst v63  }
0xd6: {  	s15 =	simm.s32 $0x1F40;
	s16 =	sld [smem:$0x7FA]  }
0xd7: {  	[tilespmem:s15], [sflag:$0x3] =	stream.linear.gather [hbm4b:s14+s8], $0x7D0, $0x38;
	[tilespmem:$0x15230] =	vst v63  }
0xd8: {  	s13 =	rddreg [dreg:$0x1f];
	s18 =	simm.s32 $0x2710  }
0xd9: {  	[tilespmem:s18], [sflag:$0x3] =	stream.linear.gather [hbm4b:s16+s8], $0x7D0, $0x38;
	[tilespmem:$0x15230] =	vst v63  }
0xda: {  	s14 =	sld [smem:$0x7FB]  }
0xdb: {  	[tilespmem:s24], [sflag:$0x2] =	stream.linear.gather [hbm4b:s13+s8], $0x7D0, $0x38;
	[tilespmem:$0x15230] =	vst v63  }
0xdc: {  	s15 =	sld [smem:$0x7F1]  }
0xdd: {  	[tilespmem:s25], [sflag:$0x4] =	stream.linear.gather [hbm4b:s14+s8], $0x7D0, $0x38;
	[tilespmem:$0x15230] =	vst v63  }
0xde: {  	s16 =	sld [smem:$0x7FC]  }
0xdf: {  	[tilespmem:s26], [sflag:$0x4] =	stream.linear.gather [hbm4b:s15+s8], $0x7D0, $0x38;
	[tilespmem:$0x15230] =	vst v63  }
0xe0: {  	s18 =	sld [smem:$0x7FD]  }
0xe1: {  	[tilespmem:s28], [sflag:$0x4] =	stream.linear.gather [hbm4b:s16+s8], $0x7D0, $0x38;
	[tilespmem:$0x15230] =	vst v63  }
0xe2: {  	s11 =	simm.s32 $0x0  }
0xe3: {  	[tilespmem:s29], [sflag:$0x4] =	stream.linear.gather [hbm4b:s18+s8], $0x7D0, $0x38;
	[tilespmem:$0x15230] =	vst v63  }
.LBB2_2:
0xe4: {  	_ =	swait.ge [sflag:s30], $0x7D0  }
0xe5: {  	[sflag:s30] =	ssyncset.done $0x0  }
0xe6: {  	[sflag:s30] =	ssyncadd.s32 $0xFFFFF830  }
0xe7: {  	_ =	swait.ge [sflag:s31], $0x7D0  }
0xe8: {  	[sflag:s31] =	ssyncset.done $0x0  }
0xe9: {  	[sflag:s31] =	ssyncadd.s32 $0xFFFFF830  }
0xea: {  	_ =	swait.ge [sflag:s31], $0x7D0  }
0xeb: {  	[sflag:s31] =	ssyncset.done $0x0  }
0xec: {  	[sflag:s31] =	ssyncadd.s32 $0xFFFFF830  }
0xed: {  	_ =	swait.ge [sflag:s31], $0x7D0  }
0xee: {  	s13 =	sshll.u32 s11, $0x1;
	[sflag:s31] =	ssyncset.done $0x0  }
0xef: {  	s13 =	sand.u32 $0xE, s13;
	[sflag:s31] =	ssyncadd.s32 $0xFFFFF830  }
0xf0: {  	p1 =	sne.s32 s13, s5;
	_ =	swait.ge [sflag:s31], $0x7D0  }
0xf1: {  	s14 =	simm.s32 @!p1 $0x7D0;
	[sflag:s31] =	ssyncset.done $0x0  }
0xf2: {  	s15 =	simm.s32 @!p1 $0x0;
	s16 =	simm.s32 @!p1 $0xFA0;
	[sflag:s31] =	ssyncadd.s32 $0xFFFFF830  }
0xf3: {  	[spmem:s2] =	stream.indirect.scatter.add.f32 @!p1 [tilespmem:s16], [sflag:$0x5], $0x1, s15, s14, $0xb8;
	[tilespmem:$0x15230] =	vst v63  }
0xf4: {  	s16 =	simm.s32 @!p1 $0x1770  }
0xf5: {  	[spmem:s3] =	stream.indirect.scatter.add.f32 @!p1 [tilespmem:s16], [sflag:$0x5], $0x1, s15, s14, $0xb8;
	[tilespmem:$0x15230] =	vst v63  }
0xf6: {  	s16 =	simm.s32 @!p1 $0x1F40  }
0xf7: {  	[spmem:s4] =	stream.indirect.scatter.add.f32 @!p1 [tilespmem:s16], [sflag:$0x5], $0x1, s15, s14, $0xb8;
	[tilespmem:$0x15230] =	vst v63  }
.Ltmp2:
0xf8: {  	s16 =	simm.s32 @!p1 $0x2710;
	(pc) =	sbr.rel .LBB2_3-.Ltmp2, $4  }
0xf9: {  	[spmem:s6] =	stream.indirect.scatter.add.f32 @!p1 [tilespmem:s16], [sflag:$0x5], $0x1, s15, s14, $0xb8;
	[tilespmem:$0x15230] =	vst v63  }
0xfa: {  	s16 =	simm.s32 @!p1 $0x4E20  }
0xfb: {  	[spmem:s7] =	stream.indirect.scatter.add.f32 @!p1 [tilespmem:s16], [sflag:$0x5], $0x1, s15, s14, $0xb8;
	[tilespmem:$0x15230] =	vst v63  }
0xfc: {  	s14 =	simm.s32 $0x0  }
.LBB2_6:
0xfd: {  	s14 =	sadd.s32 $0x1, s14  }
0xfe: {  	p0 =	sne.s32 s14, $0x7D  }
.Ltmp3:
0xff: {  	_ = 	snop;
	(pc) =	sbr.rel @!p0 .LBB2_7-.Ltmp3, $1  }
0x100: {  	_ =	sdelay $0x3  }
.LBB2_3:
0x101: {  	s15 =	sshll.u32 s14, $0x4  }
0x102: {  	v5 =	vld [tilespmem:s15+$0x0];
	_ =	sdelay $0x4  }
0x103: {  	v6 =	vsub.s32 v5, v0  }
0x104: {  	vm1 =	vlt.u32 v6, $0x61C0  }
0x105: {  	v7 =	vsel vm1, v6, v3;
	_ =	sdelay $0x3  }
0x106: {  	v5 =	vld.idx.msk [tilespmem:v1+s15+$0x0 ss:$0x1], $0xffff  }
0x107: {  	v8 =	vld.idx.msk [tilespmem:v7+s23+$0x0], $0xffff;
	_ =	sdelay $0x4  }
0x108: {  	v8 =	vmax.f32 v8, v5  }
0x109: {  	[tilespmem:v7+s23+$0x0] =	vst.idx.msk $0xffff, v8  }
0x10a: {  	v7 =	vld.idx.msk [tilespmem:v7+s23+$0x0], $0xffff;
	_ =	sdelay $0x4  }
0x10b: {  	vm0 =	vlt.f32 v7, v5  }
0x10c: {  	vm0 =	vmand vm1, vm0  }
0x10d: {  	v7 =	vsel vm0, $0x3F800000, v4  }
0x10e: {  	(xrf0) =	vmax.scan.msk.f32 $0xffff, v7;
	_ =	sdelay $0x5  }
0x10f: {  	v7, _, _ =	vpop (xrf0)  }
0x110: {  	(v2sf) =	vpush v7, $0xF;
	_ =	sdelay $0xe  }
0x111: {  	s18 =	spop (v2sf)  }
0x112: {  	p0 =	sgt.f32 s18, $0.0e+00  }
.Ltmp4:
0x113: {  	_ = 	snop;
	(pc) =	sbr.rel @!p0 .LBB2_6-.Ltmp4, $1  }
0x114: {  	_ =	sdelay $0x3  }
0x115: {  	v6 =	vnsel vm1, $0x0, v6  }
.LBB2_5:
0x116: {  	v7 =	vsel vm0, v6, v3;
	_ =	sdelay $0x4  }
0x117: {  	v8 =	vld.idx.msk [tilespmem:v7+s23+$0x0], $0xffff;
	_ =	sdelay $0x4  }
0x118: {  	v8 =	vmax.f32 v8, v5  }
0x119: {  	[tilespmem:v7+s23+$0x0] =	vst.idx.msk $0xffff, v8  }
0x11a: {  	v7 =	vld.idx.msk [tilespmem:v7+s23+$0x0], $0xffff;
	_ =	sdelay $0x4  }
0x11b: {  	vm1 =	vlt.f32 v7, v5  }
0x11c: {  	vm0 =	vmand vm0, vm1  }
0x11d: {  	v7 =	vsel vm0, $0x3F800000, v4  }
0x11e: {  	(xrf0) =	vmax.scan.msk.f32 $0xffff, v7;
	_ =	sdelay $0x5  }
0x11f: {  	v7, _, _ =	vpop (xrf0)  }
0x120: {  	(v2sf) =	vpush v7, $0xF;
	_ =	sdelay $0xe  }
0x121: {  	s15 =	spop (v2sf)  }
0x122: {  	p0 =	sgt.f32 s15, $0.0e+00  }
.Ltmp5:
0x123: {  	_ = 	snop;
	(pc) =	sbr.rel @p0 .LBB2_5-.Ltmp5, $1  }
0x124: {  	_ =	sdelay $0x3  }
.Ltmp6:
0x125: {  	_ = 	snop;
	(pc) =	sbr.rel .LBB2_6-.Ltmp6, $1  }
0x126: {  	_ =	sdelay $0x3  }
.LBB2_7:
0x127: {  	s14 =	simm.s32 @!p1 $0x5  }
0x128: {  	_ =	swait.ge @!p1 [sflag:s14], $0x7D0  }
0x129: {  	[sflag:s14] =	ssyncset.done @!p1 $0x0  }
0x12a: {  	[sflag:s14] =	ssyncadd.s32 @!p1 $0xFFFFF830  }
0x12b: {  	_ =	swait.ge @!p1 [sflag:s14], $0x7D0  }
0x12c: {  	[sflag:s14] =	ssyncset.done @!p1 $0x0  }
0x12d: {  	[sflag:s14] =	ssyncadd.s32 @!p1 $0xFFFFF830  }
0x12e: {  	_ =	swait.ge @!p1 [sflag:s14], $0x7D0  }
0x12f: {  	[sflag:s14] =	ssyncset.done @!p1 $0x0  }
0x130: {  	p0 =	seq.s32 s11, $0x18F;
	[sflag:s14] =	ssyncadd.s32 @!p1 $0xFFFFF830  }
0x131: {  	s15 =	smul.u32 @!p0 $0xFA0, s11;
	_ =	swait.ge @!p1 [sflag:s14], $0x7D0  }
0x132: {  	[sflag:s14] =	ssyncset.done @!p1 $0x0  }
0x133: {  	s15 =	sadd.s32 @!p0 s15, s21;
	[sflag:s14] =	ssyncadd.s32 @!p1 $0xFFFFF830  }
0x134: {  	s18 =	smov.u32 s12;
	s15 =	sshrl.u32 @!p0 s15, $0x3;
	_ =	swait.ge @!p1 [sflag:s14], $0x7D0  }
0x135: {  	s12 =	smov.u32 s17;
	s16 =	sadd.s32 @!p0 $0x61A80, s15;
	[sflag:s14] =	ssyncset.done @!p1 $0x0  }
0x136: {  	s17 =	simm.s32 @!p0 $0x0;
	[sflag:s14] =	ssyncadd.s32 @!p1 $0xFFFFF830;
	s14 =	sadd.s32 @!p0 s9, s16  }
0x137: {  	[tilespmem:s17], [sflag:$0x1] =	stream.linear.gather @!p0 [hbm4b:s14+s17], $0x7D0, $0x38;
	[tilespmem:$0x15230] =	vst v63  }
0x138: {  	s14 =	sadd.s32 @!p0 s1, s15;
	s15 =	simm.s32 @!p0 $0xFA0  }
0x139: {  	[tilespmem:s15], [sflag:$0x3] =	stream.linear.gather @!p0 [hbm4b:s14+s17], $0x7D0, $0x38;
	[tilespmem:$0x15230] =	vst v63  }
0x13a: {  	s15 =	sadd.s32 @!p0 s1, s16;
	s16 =	simm.s32 @!p0 $0x1770  }
0x13b: {  	[tilespmem:s16], [sflag:$0x3] =	stream.linear.gather @!p0 [hbm4b:s15+s17], $0x7D0, $0x38;
	[tilespmem:$0x15230] =	vst v63  }
0x13c: {  	s15 =	sadd.s32 @!p0 $0xC3500, s14;
	s16 =	simm.s32 @!p0 $0x1F40  }
0x13d: {  	[tilespmem:s16], [sflag:$0x3] =	stream.linear.gather @!p0 [hbm4b:s15+s17], $0x7D0, $0x38;
	[tilespmem:$0x15230] =	vst v63  }
0x13e: {  	s14 =	sadd.s32 @!p0 $0x124F80, s14;
	s15 =	simm.s32 @!p0 $0x2710  }
0x13f: {  	[tilespmem:s15], [sflag:$0x3] =	stream.linear.gather @!p0 [hbm4b:s14+s17], $0x7D0, $0x38;
	[tilespmem:$0x15230] =	vst v63  }
0x140: {  	_ =	swait.ge [sflag:s0], $0x7D0  }
0x141: {  	[sflag:s0] =	ssyncset.done $0x0  }
0x142: {  	[sflag:s0] =	ssyncadd.s32 $0xFFFFF830  }
0x143: {  	_ =	swait.ge [sflag:s10], $0x7D0  }
0x144: {  	[sflag:s10] =	ssyncset.done $0x0  }
0x145: {  	[sflag:s10] =	ssyncadd.s32 $0xFFFFF830  }
0x146: {  	_ =	swait.ge [sflag:s10], $0x7D0  }
0x147: {  	[sflag:s10] =	ssyncset.done $0x0  }
0x148: {  	[sflag:s10] =	ssyncadd.s32 $0xFFFFF830  }
0x149: {  	_ =	swait.ge [sflag:s10], $0x7D0  }
0x14a: {  	[sflag:s10] =	ssyncset.done $0x0  }
0x14b: {  	[sflag:s10] =	ssyncadd.s32 $0xFFFFF830  }
0x14c: {  	s13 =	sor.u32 $0x1, s13;
	_ =	swait.ge [sflag:s10], $0x7D0  }
0x14d: {  	p1 =	sne.s32 s13, s5;
	[sflag:s10] =	ssyncset.done $0x0  }
0x14e: {  	s13 =	simm.s32 @!p1 $0x7D0;
	s14 =	simm.s32 @!p1 $0x2EE0;
	[sflag:s10] =	ssyncadd.s32 $0xFFFFF830  }
0x14f: {  	[spmem:s2] =	stream.indirect.scatter.add.f32 @!p1 [tilespmem:s14], [sflag:$0x5], $0x1, s13, s13, $0xb8;
	[tilespmem:$0x15230] =	vst v63  }
0x150: {  	s14 =	simm.s32 @!p1 $0x36B0  }
0x151: {  	[spmem:s3] =	stream.indirect.scatter.add.f32 @!p1 [tilespmem:s14], [sflag:$0x5], $0x1, s13, s13, $0xb8;
	[tilespmem:$0x15230] =	vst v63  }
0x152: {  	s14 =	simm.s32 @!p1 $0x3E80  }
0x153: {  	[spmem:s4] =	stream.indirect.scatter.add.f32 @!p1 [tilespmem:s14], [sflag:$0x5], $0x1, s13, s13, $0xb8;
	[tilespmem:$0x15230] =	vst v63  }
.Ltmp7:
0x154: {  	s14 =	simm.s32 @!p1 $0x4650;
	(pc) =	sbr.rel .LBB2_8-.Ltmp7, $4  }
0x155: {  	[spmem:s6] =	stream.indirect.scatter.add.f32 @!p1 [tilespmem:s14], [sflag:$0x5], $0x1, s13, s13, $0xb8;
	[tilespmem:$0x15230] =	vst v63  }
0x156: {  	s17 =	smov.u32 s12;
	s14 =	simm.s32 @!p1 $0x4E20  }
0x157: {  	[spmem:s7] =	stream.indirect.scatter.add.f32 @!p1 [tilespmem:s14], [sflag:$0x5], $0x1, s13, s13, $0xb8;
	[tilespmem:$0x15230] =	vst v63  }
0x158: {  	s12 =	smov.u32 s18;
	s15 =	smov.u32 s19;
	s13 =	simm.s32 $0x0  }
.LBB2_11:
0x159: {  	s13 =	sadd.s32 $0x1, s13  }
0x15a: {  	p2 =	sne.s32 s13, $0x7D  }
.Ltmp8:
0x15b: {  	_ = 	snop;
	(pc) =	sbr.rel @!p2 .LBB2_12-.Ltmp8, $1  }
0x15c: {  	_ =	sdelay $0x3  }
.LBB2_8:
0x15d: {  	s14 =	sshll.u32 s13, $0x4  }
0x15e: {  	v5 =	vld [tilespmem:s14+$0x7D0];
	_ =	sdelay $0x4  }
0x15f: {  	v6 =	vsub.s32 v5, v0  }
0x160: {  	vm1 =	vlt.u32 v6, $0x61C0  }
0x161: {  	v7 =	vsel vm1, v6, v3;
	_ =	sdelay $0x3  }
0x162: {  	v5 =	vld.idx.msk [tilespmem:v2+s14+$0x0 ss:$0x1], $0xffff  }
0x163: {  	v8 =	vld.idx.msk [tilespmem:v7+s23+$0x0], $0xffff;
	_ =	sdelay $0x4  }
0x164: {  	v8 =	vmax.f32 v8, v5  }
0x165: {  	[tilespmem:v7+s23+$0x0] =	vst.idx.msk $0xffff, v8  }
0x166: {  	v7 =	vld.idx.msk [tilespmem:v7+s23+$0x0], $0xffff;
	_ =	sdelay $0x4  }
0x167: {  	vm0 =	vlt.f32 v7, v5  }
0x168: {  	vm0 =	vmand vm1, vm0  }
0x169: {  	v7 =	vsel vm0, $0x3F800000, v4  }
0x16a: {  	(xrf0) =	vmax.scan.msk.f32 $0xffff, v7;
	_ =	sdelay $0x5  }
0x16b: {  	v7, _, _ =	vpop (xrf0)  }
0x16c: {  	(v2sf) =	vpush v7, $0xF;
	_ =	sdelay $0xe  }
0x16d: {  	s18 =	spop (v2sf)  }
0x16e: {  	p2 =	sgt.f32 s18, $0.0e+00  }
.Ltmp9:
0x16f: {  	_ = 	snop;
	(pc) =	sbr.rel @!p2 .LBB2_11-.Ltmp9, $1  }
0x170: {  	_ =	sdelay $0x3  }
0x171: {  	v6 =	vnsel vm1, $0x0, v6  }
.LBB2_10:
0x172: {  	v7 =	vsel vm0, v6, v3;
	_ =	sdelay $0x4  }
0x173: {  	v8 =	vld.idx.msk [tilespmem:v7+s23+$0x0], $0xffff;
	_ =	sdelay $0x4  }
0x174: {  	v8 =	vmax.f32 v8, v5  }
0x175: {  	[tilespmem:v7+s23+$0x0] =	vst.idx.msk $0xffff, v8  }
0x176: {  	v7 =	vld.idx.msk [tilespmem:v7+s23+$0x0], $0xffff;
	_ =	sdelay $0x4  }
0x177: {  	vm1 =	vlt.f32 v7, v5  }
0x178: {  	vm0 =	vmand vm0, vm1  }
0x179: {  	v7 =	vsel vm0, $0x3F800000, v4  }
0x17a: {  	(xrf0) =	vmax.scan.msk.f32 $0xffff, v7;
	_ =	sdelay $0x5  }
0x17b: {  	v7, _, _ =	vpop (xrf0)  }
0x17c: {  	(v2sf) =	vpush v7, $0xF;
	_ =	sdelay $0xe  }
0x17d: {  	s14 =	spop (v2sf)  }
0x17e: {  	p2 =	sgt.f32 s14, $0.0e+00  }
.Ltmp10:
0x17f: {  	_ = 	snop;
	(pc) =	sbr.rel @p2 .LBB2_10-.Ltmp10, $1  }
0x180: {  	_ =	sdelay $0x3  }
.Ltmp11:
0x181: {  	_ = 	snop;
	(pc) =	sbr.rel .LBB2_11-.Ltmp11, $1  }
0x182: {  	_ =	sdelay $0x3  }
.LBB2_12:
0x183: {  	s13 =	simm.s32 @!p1 $0x5  }
0x184: {  	_ =	swait.ge @!p1 [sflag:s13], $0x7D0  }
0x185: {  	[sflag:s13] =	ssyncset.done @!p1 $0x0  }
0x186: {  	[sflag:s13] =	ssyncadd.s32 @!p1 $0xFFFFF830  }
0x187: {  	_ =	swait.ge @!p1 [sflag:s13], $0x7D0  }
0x188: {  	[sflag:s13] =	ssyncset.done @!p1 $0x0  }
0x189: {  	[sflag:s13] =	ssyncadd.s32 @!p1 $0xFFFFF830  }
0x18a: {  	_ =	swait.ge @!p1 [sflag:s13], $0x7D0  }
0x18b: {  	[sflag:s13] =	ssyncset.done @!p1 $0x0  }
0x18c: {  	[sflag:s13] =	ssyncadd.s32 @!p1 $0xFFFFF830  }
0x18d: {  	_ =	swait.ge @!p1 [sflag:s13], $0x7D0  }
.Ltmp12:
0x18e: {  	[sflag:s13] =	ssyncset.done @!p1 $0x0;
	(pc) =	sbr.rel @p0 .LBB2_14-.Ltmp12, $4  }
0x18f: {  	[sflag:s13] =	ssyncadd.s32 @!p1 $0xFFFFF830  }
0x190: {  	_ =	swait.ge @!p1 [sflag:s13], $0x7D0  }
0x191: {  	[sflag:s13] =	ssyncset.done @!p1 $0x0  }
0x192: {  	[sflag:s13] =	ssyncadd.s32 @!p1 $0xFFFFF830  }
0x193: {  	s13 =	smul.u32 $0xFA0, s11;
	_ =	sdelay $0x1  }
0x194: {  	s13 =	sadd.s32 s13, s22  }
0x195: {  	s13 =	sshrl.u32 s13, $0x3  }
0x196: {  	s14 =	sadd.s32 $0x61A80, s13  }
0x197: {  	s15 =	sadd.s32 s9, s14  }
0x198: {  	[tilespmem:s24], [sflag:$0x2] =	stream.linear.gather [hbm4b:s15+s8], $0x7D0, $0x38;
	[tilespmem:$0x15230] =	vst v63  }
0x199: {  	s13 =	sadd.s32 s1, s13  }
0x19a: {  	[tilespmem:s25], [sflag:$0x4] =	stream.linear.gather [hbm4b:s13+s8], $0x7D0, $0x38;
	[tilespmem:$0x15230] =	vst v63  }
0x19b: {  	s14 =	sadd.s32 s1, s14  }
0x19c: {  	[tilespmem:s26], [sflag:$0x4] =	stream.linear.gather [hbm4b:s14+s8], $0x7D0, $0x38;
	[tilespmem:$0x15230] =	vst v63  }
.Ltmp13:
0x19d: {  	_ = 	snop;
	(pc) =	sbr.rel .LBB2_2-.Ltmp13, $4  }
0x19e: {  	s18 =	sadd.s32 $0xC3500, s13  }
0x19f: {  	[tilespmem:s28], [sflag:$0x4] =	stream.linear.gather [hbm4b:s18+s8], $0x7D0, $0x38;
	[tilespmem:$0x15230] =	vst v63  }
0x1a0: {  	s11 =	sadd.s32 $0x1, s11;
	s13 =	sadd.s32 $0x124F80, s13  }
0x1a1: {  	[tilespmem:s29], [sflag:$0x4] =	stream.linear.gather [hbm4b:s13+s8], $0x7D0, $0x38;
	[tilespmem:$0x15230] =	vst v63  }
.LBB2_15:
0x1a2: {  	_ =	sfence.sel $0x180000  }
0x1a3: {  	[bflag:$0x0] =	sbarrier.arrive $0xFFFF  }
0x1a4: {  	_ =	strace $0x9000004A  }
0x1a5: {  	[bflag:$0x2] =	sbarrier.arrive $0xFFFF  }
0x1a6: {  	p0 =	sne.s32 s5, $0x0;
	s0 =	rddreg [dreg:$0x7]  }
0x1a7: {  	s0 =	sadd.s32 @!p0 $0x100000, s0  }
0x1a8: {  	[sflag:s0] =	ssyncadd.tile.s32 @!p0 $0x1;
	_ =	shalt  }
.Lfunc_end2:
_tile_overlayer_lowered:
.L_overlay_start_2:
0x1a9: {  	(tag) =	ssettag $0x2  }
0x1aa: {  	s0 =	rddreg [dreg:$0x0];
	s2 =	stileid.u32  }
0x1ab: {  	s1 =	rddreg [dreg:$0x1];
	p0 =	sne.s32 s2, $0x0  }
0x1ac: {  	s3 =	rddreg [dreg:$0x2];
	[bflag:$0x3] =	sbarrier.arrive $0xFFFF;
	s2 =	simm.s32 @!p0 $0x1C06  }
0x1ad: {  	[timem:s3], [sflag:s2] =	dma.local @!p0 [hbm:s0], s1  }
0x1ae: {  	s0 =	simm.s32 @!p0 $0x6  }
0x1af: {  	_ =	swait.ge @!p0 [sflag:s0], s1  }
0x1b0: {  	s1 =	ssub.s32 @!p0 $0x0, s1;
	[sflag:s0] =	ssyncset.done @!p0 $0x0  }
0x1b1: {  	[sflag:s0] =	ssyncadd.s32 @!p0 s1  }
0x1b2: {  	[bflag:$0x3] =	sbarrier.arrive $0xFFFF  }
0x1b3: {  	_ =	shalt  }

// kernel: sparse-core-data-format-call.cloned.1.call-start
scs
called_computation_lowered:
.L_overlay_start_0:
0x0: {  	s2 =	sld [smem:$0x3FD9]  }
0x1: {  	s3 =	sld [smem:$0x3FFE];
	_ =	sdelay $0x1  }
0x2: {  	s1 =	srdreg.scid  }
0x3: {  	s0 =	sand.u32 $0x1, s1  }
0x4: {  	s19 =	sshll.u32 s0, $0xA;
	s2 =	sadd.s32 s3, s2  }
0x5: {  	s2 =	sadd.s32 s2, s19  }
0x6: {  	[smem:$0x3FBF] =	sst s2  }
0x7: {  	_ = 	snop  }
0x8: {  	s2 =	sld [smem:$0x3FC7]  }
0x9: {  	s20 =	sld [smem:$0x3FD0];
	(tm) =	ssettm $0x1  }
0xa: {  	s4 =	sld [smem:$0x3FFB];
	_ =	sdelay $0x3  }
0xb: {  	_ =	strace s4  }
0xc: {  	s4 =	sld [smem:$0x3FFC];
	_ =	sdelay $0x3  }
0xd: {  	_ =	strace s4  }
0xe: {  	s4 =	sld [smem:$0x3FFD];
	_ =	sdelay $0x3  }
0xf: {  	_ =	strace s4  }
0x10: {  	_ =	strace $0x8FFFFFFF  }
0x11: {  	s21 =	sld [smem:$0x3FDB];
	_ =	sdelay $0x1  }
0x12: {  	s5 =	simm.s32 $_scs_section_size  }
0x13: {  	s6 =	simm.s32 $_size__tile_overlayer_lowered;
	s7 =	simm.s32 $_tile_overlayer_lowered  }
0x14: {  	s24 =	simm.s32 $0x1BFF;
	s23 =	sshll.u32 s7, $0x1;
	s4 =	sadd.s32 s5, s21  }
0x15: {  	s8 =	simm.s32 $0x0;
	s22 =	sshll.u32 s6, $0x1;
	s6 =	sadd.s32 s23, s4  }
0x16: {  	[timem:s8], [sflag:s24] =	dma.local [hbm:s6], s22  }
0x17: {  	_ =	swait.ge [sflag:s24], s22  }
0x18: {  	s5 =	ssub.s32 $0x0, s22;
	[sflag:s24] =	ssyncset.done $0x0  }
0x19: {  	[sflag:s24] =	ssyncadd.s32 s5;
	_ =	sdelay $0x1  }
0x1a: {  	s25 =	simm.s32 $0x1B8B  }
0x1b: {  	_ =	swait.ge [sflag:s25], $0x1  }
0x1c: {  	[sflag:s25] =	ssyncset.done $0x0  }
0x1d: {  	s26 =	simm.s32 $0x1B8E;
	[sflag:s25] =	ssyncadd.s32 $0xFFFFFFFF  }
0x1e: {  	s27 =	simm.s32 $execute0_lowered;
	[smem:$0x3FD2] =	sst s26  }
0x1f: {  	s5 =	sshll.u32 s27, $0x1;
	_ =	strace $0x80000046;
	[dreg:$0x1] =	wrdreg $0xFFFFFFFF  }
0x20: {  	s28 =	simm.s32 $_size_execute0_lowered;
	s4 =	sadd.s32 s4, s5;
	[dreg:$0x0] =	wrdreg $0x0  }
0x21: {  	s5 =	sshll.u32 s28, $0x1;
	[dreg:$0x2] =	wrdreg s4  }
0x22: {  	[dreg:$0x3] =	wrdreg s5  }
0x23: {  	[dreg:$0x4] =	wrdreg $0xC0  }
0x24: {  	_ =	task [dreg:s8], $0x5FFFF  }
0x25: {  	[dreg:$0x1] =	wrdreg $0xFFFFFFFF  }
0x26: {  	[dreg:$0x0] =	wrdreg $0x60  }
0x27: {  	[dreg:$0x2] =	wrdreg s2  }
0x28: {  	[dreg:$0x3] =	wrdreg s20  }
0x29: {  	[dreg:$0x4] =	wrdreg $0x9  }
0x2a: {  	_ =	task.clear_ibuf [dreg:s8], $0x5FFFF;
	_ =	strace $0x90000046  }
0x2b: {  	s29 =	simm.s32 $0x9;
	_ =	strace $0x80000048  }
0x2c: {  	_ =	swait.ge [sflag:s29], $0x1  }
0x2d: {  	[sflag:s29] =	ssyncadd.s32 $0xFFFFFFFF  }
0x2e: {  	_ =	strace $0x90000048  }
0x2f: {  	_ =	sfence  }
0x30: {  	s30 =	sld [smem:$0x0];
	_ =	sdelay $0x2  }
0x31: {  	s31 =	sshll.u32 s1, $0xD;
	s1 =	sshrl.u32 s1, $0x2  }
0x32: {  	s3 =	sand.u32 $0x4000, s31;
	s1 =	sadd.s32 s1, s30  }
0x33: {  	s0 =	sor.u32 s3, s0;
	s1 =	sshll.u32 s1, $0x11  }
0x34: {  	s0 =	sor.u32 s1, s0  }
0x35: {  	s0 =	sadd.s32 $0x8F2B, s0  }
0x36: {  	[sflag:s0] =	ssyncadd.remote.s32 $0x1  }
0x37: {  	_ =	sfence.sel $0xFFFF  }
0x38: {  	[dreg:$0x0] =	wrdreg $0xFFFFFFFF;
	(pc) =	sbr.abs _section_cstart, $3  }
0x39: {  	[dreg:$0x1] =	wrdreg $0xFFFFFFFF  }
0x3a: {  	_ =	task.clear_ibuf [dreg:s8], $0x2FFFF;
	_ =	strace $0x9FFFFFFF  }
0x3b: {  	(tm) =	ssettm $0x7FFFFFFF  }
tec
execute0_lowered:
.L_overlay_start_1:
0x0: {  	(tag) =	ssettag $0x1  }
0x1: {  	s7 =	rddreg [dreg:$0x0]  }
0x2: {  	s2 =	rddreg [dreg:$0x1];
	s3 =	srdreg.scid  }
0x3: {  	s0 =	rddreg [dreg:$0x2];
	s1 =	stileid.u32  }
0x4: {  	_ =	strace $0x80000047;
	s8 =	simm.s32 $0x2;
	s10 =	simm.s32 $0x0  }
0x5: {  	s14 =	simm.s32 $0x0;
	s15 =	simm.s32 $0x0;
	s3 =	sshll.u32 s3, $0x4  }
0x6: {  	s11 =	simm.s32 $0x0;
	s13 =	simm.s32 $0x0;
	s3 =	sand.u32 $0x10, s3  }
.Ltmp0:
0x7: {  	s4 =	sshll.u32 s1, $0x7;
	s5 =	sor.u32 s1, s3;
	(pc) =	sbr.rel .LBB1_1-.Ltmp0, $4  }
0x8: {  	s3 =	sand.u32 $0x380, s4;
	s4 =	simm.s32 $0x1;
	s5 =	sshrl.u32 s5, $0x3  }
0x9: {  	[sflag:s4] =	ssyncpa.u1 $0x0;
	s6 =	ssub.s32 $0x6180, s3;
	s12 =	smov.u32 s3  }
0xa: {  	s6 =	sshrl.u32 s6, $0xA;
	s9 =	sshll.u32 s5, $0x4;
	[sflag:s8] =	ssyncpa.u1 $0x0  }
0xb: {  	s7 =	sadd.s32 s7, s9;
	s8 =	sadd.s32 $0x2, s6;
	s9 =	simm.s32 $0x0  }
.LBB1_4:
0xc: {  	s21 =	simm.s32 $0x0  }
.LBB1_8:
0xd: {  	_ =	sdelay $0x3  }
0xe: {  	v6 =	vld [tilespmem:s18+$0xFFFFFFC0];
	[tilespmem:v0+s20+$0x30 ss:$0x1] =	vst.idx.msk @p0 $0xffff, v2  }
0xf: {  	v58 =	vld [tilespmem:s18+$0xFFFFFFD0];
	[tilespmem:v0+s20+$0x40 ss:$0x1] =	vst.idx.msk @p0 $0xffff, v3;
	s21 =	sadd.s32 @p0 $0x80, s21  }
0x10: {  	v59 =	vld [tilespmem:s18+$0xFFFFFFE0];
	[tilespmem:v0+s20+$0x50 ss:$0x1] =	vst.idx.msk @p0 $0xffff, v5;
	s19 =	smov.u32 @p0 s21  }
0x11: {  	v60 =	vld [tilespmem:s18+$0xFFFFFFF0];
	[tilespmem:v0+s20+$0x60 ss:$0x1] =	vst.idx.msk @p0 $0xffff, v4;
	s19 =	sand.u32 $0x3F80, s19  }
0x12: {  	v61 =	vld [tilespmem:s18+$0x0];
	[tilespmem:v0+s19+$0x70 ss:$0x1] =	vst.idx.msk $0xffff, v1  }
0x13: {  	v62 =	vld [tilespmem:s18+$0x10];
	[tilespmem:v0+s19+$0x0 ss:$0x1] =	vst.idx.msk $0xffff, v6  }
0x14: {  	v63 =	vld [tilespmem:s18+$0x20];
	[tilespmem:v0+s19+$0x10 ss:$0x1] =	vst.idx.msk $0xffff, v58  }
0x15: {  	[tilespmem:v0+s19+$0x20 ss:$0x1] =	vst.idx.msk $0xffff, v59  }
0x16: {  	[tilespmem:v0+s19+$0x30 ss:$0x1] =	vst.idx.msk $0xffff, v60  }
0x17: {  	[tilespmem:v0+s19+$0x40 ss:$0x1] =	vst.idx.msk $0xffff, v61  }
0x18: {  	[tilespmem:v0+s19+$0x50 ss:$0x1] =	vst.idx.msk $0xffff, v62  }
0x19: {  	[tilespmem:v0+s19+$0x60 ss:$0x1] =	vst.idx.msk $0xffff, v63  }
.LBB1_9:
0x1a: {  	s18 =	sand.u32 $0x1FFFFFF, s11  }
0x1b: {  	s19 =	smulhi.u32 $0x14F8B59, s18;
	_ =	sdelay $0x1  }
0x1c: {  	s19 =	sshrl.u32 s19, $0x7  }
0x1d: {  	s19 =	smul.u32 $0x61A8, s19  }
0x1e: {  	s15 =	smul.u32 $0x61A80, s15  }
0x1f: {  	s18 =	ssub.s32 s18, s19  }
0x20: {  	s15 =	sadd.s32 s2, s15;
	s18 =	sshll.u32 s18, $0x4  }
0x21: {  	s15 =	sadd.s32 s18, s15  }
0x22: {  	[hbm4b:s15+s9] =	stream.linear.scatter [tilespmem:s17], [sflag:$0x2], s16, $0x38;
	[tilespmem:$0x10000] =	vst v63  }
.LBB1_10:
0x23: {  	p0 =	slt.u32 s13, $0x2  }
0x24: {  	p1 =	sgt.s32 @!p0 s14, $0x6128  }
0x25: {  	s15 =	smov.u32 s14;
	s16 =	sshra.s32 @!p0 s14, $0x1F;
	p1 =	por !p1, p0  }
0x26: {  	s14 =	sand.u32 @!p0 s16, s14;
	s15 =	simm.s32 @p1 $0x6128  }
0x27: {  	s14 =	ssub.s32 @!p0 s15, s14  }
0x28: {  	s14 =	sadd.s32 @!p0 $0xFFFF9ED8, s14  }
0x29: {  	s15 =	sshll.u32 @!p0 s14, $0x7  }
0x2a: {  	p1 =	sgt.s32 @!p0 s14, $0x7F;
	s14 =	ssub.s32 @!p0 $0x4000, s15  }
0x2b: {  	s16 =	sadd.s32 $0x400, s12;
	p1 =	por !p1, p0;
	s14 =	sand.u32 @!p0 $0x3FFFFF80, s14  }
0x2c: {  	s14 =	simm.s32 @!p1 $0x0;
	p1 =	sgt.s32 s16, $0x61A7  }
0x2d: {  	s16 =	smov.u32 @p1 s3;
	p1 =	sne.s32 s13, s8  }
.Ltmp1:
0x2e: {  	_ = 	snop;
	(pc) =	sbr.rel @!p1 .LBB1_11-.Ltmp1, $4  }
0x2f: {  	s10 =	sadd.s32 $0x4000, s10;
	s15 =	simm.s32 @!p0 $0x2  }
0x30: {  	_ =	swait.ge @!p0 [sflag:s15], s14;
	s17 =	ssub.s32 @!p0 $0x0, s14;
	s14 =	smov.u32 s11  }
0x31: {  	s13 =	sadd.s32 $0x1, s13;
	s11 =	smov.u32 s12;
	[sflag:s15] =	ssyncset.done @!p0 $0x0  }
0x32: {  	s12 =	smov.u32 s16;
	[sflag:s15] =	ssyncadd.s32 @!p0 s17;
	s15 =	smov.u32 s5  }
.LBB1_1:
0x33: {  	p0 =	sgt.u32 s13, s6  }
0x34: {  	p1 =	sgt.s32 @!p0 s12, $0x6128  }
0x35: {  	s16 =	smov.u32 s12;
	s17 =	sshra.s32 @!p0 s12, $0x1F;
	p1 =	por !p1, p0  }
0x36: {  	s17 =	sand.u32 @!p0 s17, s12;
	s16 =	simm.s32 @p1 $0x6128  }
0x37: {  	s16 =	ssub.s32 @!p0 s16, s17  }
0x38: {  	s18 =	sxor.u32 @!p0 $0xFFFFFFFF, s13;
	s16 =	sadd.s32 @!p0 $0xFFFF9ED8, s16  }
0x39: {  	s19 =	simm.s32 @!p0 $0x80;
	s20 =	simm.s32 @!p0 $0x200;
	s17 =	sshll.u32 @!p0 s16, $0x7  }
0x3a: {  	p1 =	sgt.s32 @!p0 s16, $0x7F;
	s16 =	ssub.s32 @!p0 $0x4000, s17;
	s17 =	sshll.u32 @!p0 s18, $0xE  }
0x3b: {  	p1 =	por !p1, p0;
	s18 =	sshll.u32 @!p0 s12, $0x6;
	s16 =	sand.u32 @!p0 $0x3FFFFF80, s16  }
0x3c: {  	s17 =	sand.u32 @!p0 $0x4000, s17;
	s18 =	sadd.s32 @!p0 s18, s7;
	s16 =	simm.s32 @!p1 $0x0  }
0x3d: {  	[tilespmem:s17], [sflag:$0x1] =	stream.strided.gather @!p0 [hbm4b:s18+s19], s16, s20, s19, $0x38;
	[tilespmem:$0x10000] =	vst v63  }
0x3e: {  	p0 =	seq.s32 s13, $0x0  }
0x3f: {  	p1 =	sge.u32 @!p0 s13, s8  }
0x40: {  	p0 =	por p0, p1  }
.Ltmp2:
0x41: {  	_ = 	snop;
	(pc) =	sbr.rel @p0 .LBB1_10-.Ltmp2, $1  }
0x42: {  	_ =	sdelay $0x3  }
0x43: {  	p0 =	sgt.s32 s11, $0x6128;
	s16 =	smov.u32 s11;
	s17 =	sshra.s32 s11, $0x1F  }
0x44: {  	s16 =	simm.s32 @!p0 $0x6128;
	s17 =	sand.u32 s17, s11  }
0x45: {  	s16 =	ssub.s32 s16, s17  }
0x46: {  	s16 =	sadd.s32 $0xFFFF9ED8, s16  }
0x47: {  	s30 =	sshll.u32 s16, $0x7  }
0x48: {  	s17 =	ssub.s32 $0x4000, s30  }
0x49: {  	p0 =	sgt.s32 s16, $0x7F;
	s16 =	sand.u32 $0x3FFFFF80, s17;
	s17 =	sadd.s32 $0x80, s11  }
0x4a: {  	s16 =	simm.s32 @p0 $0x0;
	p0 =	slt.s32 s17, $0x61A8  }
0x4b: {  	s17 =	simm.s32 @!p0 $0x61A8  }
0x4c: {  	s20 =	ssub.s32 s17, s11  }
0x4d: {  	p0 =	slt.s32 s20, $0x1  }
.Ltmp3:
0x4e: {  	_ = 	snop;
	(pc) =	sbr.rel @p0 .LBB1_9-.Ltmp3, $4  }
0x4f: {  	_ = 	snop  }
0x50: {  	s19 =	sshll.u32 s13, $0xE;
	_ =	swait.ge [sflag:s4], s16  }
0x51: {  	s31 =	sand.u32 $0x4000, s19;
	s18 =	ssub.s32 $0x0, s16;
	[sflag:s4] =	ssyncset.done $0x0  }
0x52: {  	s17 =	sor.u32 $0x8000, s31;
	[sflag:s4] =	ssyncadd.s32 s18  }
0x53: {  	p1 =	sne.s32 s20, $0x1  }
.Ltmp4:
0x54: {  	v0 =	vmov s17;
	(pc) =	sbr.rel @!p1 .LBB1_4-.Ltmp4, $4  }
0x55: {  	_ = 	snop  }
0x56: {  	s18 =	sand.u32 $0x4000, s10  }
0x57: {  	s18 =	sor.u32 $0x40, s18  }
0x58: {  	s19 =	simm.s32 $0x0;
	s21 =	sadd.s32 $0xFFFFFFFF, s20;
	p0 =	por $0x0, $0x0;
	v1 =	vld [tilespmem:s18+$0x30]  }
0x59: {  	v4 =	vld [tilespmem:s18+$0xFFFFFFC0]  }
0x5a: {  	v6 =	vld [tilespmem:s18+$0xFFFFFFD0]  }
0x5b: {  	v7 =	vld [tilespmem:s18+$0xFFFFFFE0];
	p1 =	sne.s32 s21, $0x1  }
.Ltmp5:
0x5c: {  	v2 =	vld [tilespmem:s18+$0xFFFFFFF0];
	s20 =	sand.u32 $0x3F80, s19;
	(pc) =	sbr.rel @!p1 .LBB1_6-.Ltmp5, $4  }
0x5d: {  	v3 =	vld [tilespmem:s18+$0x0];
	[tilespmem:v0+s20+$0x70 ss:$0x1] =	vst.idx.msk $0xffff, v1  }
0x5e: {  	v5 =	vld [tilespmem:s18+$0x10];
	[tilespmem:v0+s20+$0x0 ss:$0x1] =	vst.idx.msk $0xffff, v4  }
0x5f: {  	v4 =	vld [tilespmem:s18+$0x20];
	[tilespmem:v0+s20+$0x10 ss:$0x1] =	vst.idx.msk $0xffff, v6;
	s18 =	sadd.s32 $0x80, s18  }
0x60: {  	s22 =	sadd.s32 $0xFFFFFFFF, s21;
	p0 =	por $0x1, $0x1;
	s21 =	simm.s32 $0x0;
	[tilespmem:v0+s20+$0x20 ss:$0x1] =	vst.idx.msk $0xffff, v7;
	v1 =	vld [tilespmem:s18+$0x30]  }
.LBB1_7:
0x61: {  	p1 =	sne.s32 s22, $0x1;
	v6 =	vld [tilespmem:s18+$0xFFFFFFC0];
	[tilespmem:v0+s20+$0x30 ss:$0x1] =	vst.idx.msk $0xffff, v2  }
0x62: {  	v7 =	vld [tilespmem:s18+$0xFFFFFFD0];
	[tilespmem:v0+s20+$0x40 ss:$0x1] =	vst.idx.msk $0xffff, v3  }
0x63: {  	s21 =	sadd.s32 $0x80, s21;
	v8 =	vld [tilespmem:s18+$0xFFFFFFE0];
	[tilespmem:v0+s20+$0x50 ss:$0x1] =	vst.idx.msk $0xffff, v5  }
.Ltmp6:
0x64: {  	v2 =	vld [tilespmem:s18+$0xFFFFFFF0];
	[tilespmem:v0+s20+$0x60 ss:$0x1] =	vst.idx.msk $0xffff, v4;
	s20 =	sand.u32 $0x3F80, s21;
	(pc) =	sbr.rel @p1 .LBB1_7-.Ltmp6, $4  }
0x65: {  	v3 =	vld [tilespmem:s18+$0x0];
	[tilespmem:v0+s20+$0x70 ss:$0x1] =	vst.idx.msk $0xffff, v1  }
0x66: {  	[tilespmem:v0+s20+$0x0 ss:$0x1] =	vst.idx.msk $0xffff, v6;
	v5 =	vld [tilespmem:s18+$0x10]  }
0x67: {  	[tilespmem:v0+s20+$0x10 ss:$0x1] =	vst.idx.msk $0xffff, v7;
	v4 =	vld [tilespmem:s18+$0x20];
	s18 =	sadd.s32 $0x80, s18  }
0x68: {  	s22 =	sadd.s32 $0xFFFFFFFF, s22;
	v1 =	vld [tilespmem:s18+$0x30];
	[tilespmem:v0+s20+$0x20 ss:$0x1] =	vst.idx.msk $0xffff, v8  }
.Ltmp7:
0x69: {  	_ = 	snop;
	(pc) =	sbr.rel .LBB1_8-.Ltmp7, $1  }
0x6a: {  	_ =	sdelay $0x3  }
.LBB1_6:
.Ltmp8:
0x6b: {  	(pc) =	sbr.rel .LBB1_8-.Ltmp8, $2  }
0x6c: {  	_ =	sdelay $0x2  }
0x6d: {  	s21 =	simm.s32 $0x0  }
.LBB1_11:
0x6e: {  	_ =	sfence.sel $0x180000  }
0x6f: {  	s2 =	simm.s32 $0x1;
	[bflag:$0x0] =	sbarrier.arrive $0xFFFF  }
0x70: {  	s31 =	simm.s32 $0x2;
	[sflag:s2] =	ssyncpa.u1 $0x1  }
0x71: {  	[sflag:s31] =	ssyncpa.u1 $0x1  }
0x72: {  	p0 =	sne.s32 s1, $0x0;
	_ =	strace $0x90000047  }
0x73: {  	s0 =	sadd.s32 @!p0 $0x100000, s0;
	[bflag:$0x2] =	sbarrier.arrive $0xFFFF  }
0x74: {  	[sflag:s0] =	ssyncadd.tile.s32 @!p0 $0x1;
	_ =	shalt  }
.Lfunc_end1:
_tile_overlayer_lowered:
.L_overlay_start_2:
0x75: {  	(tag) =	ssettag $0x2  }
0x76: {  	s0 =	rddreg [dreg:$0x0];
	s2 =	stileid.u32  }
0x77: {  	s1 =	rddreg [dreg:$0x1];
	p0 =	sne.s32 s2, $0x0  }
0x78: {  	s3 =	rddreg [dreg:$0x2];
	[bflag:$0x3] =	sbarrier.arrive $0xFFFF;
	s2 =	simm.s32 @!p0 $0x1C01  }
0x79: {  	[timem:s3], [sflag:s2] =	dma.local @!p0 [hbm:s0], s1  }
0x7a: {  	s0 =	simm.s32 @!p0 $0x1  }
0x7b: {  	_ =	swait.ge @!p0 [sflag:s0], s1  }
0x7c: {  	s1 =	ssub.s32 @!p0 $0x0, s1;
	[sflag:s0] =	ssyncset.done @!p0 $0x0  }
0x7d: {  	[sflag:s0] =	ssyncadd.s32 @!p0 s1  }
0x7e: {  	[bflag:$0x3] =	sbarrier.arrive $0xFFFF  }
0x7f: {  	_ =	shalt  }

</sc_bundles>
